<compile_context>
chip_gen: v7x
topology: tpu7x:2x2x1
jax: 0.10.2.dev20260603
libtpu: 0.0.44.dev20260713+nightly
codegen_flags: <defaults>
</compile_context>

<pallas_src>
import jax
import jax.numpy as jnp
from jax import lax
from jax.experimental import pallas as pl
from jax.experimental.pallas import tpu as pltpu
from jax.experimental.pallas import tpu_sc as plsc

N = 24
E = 384
C = 512
NPAD = 32
LANES = 16


def _newton_rsqrt(d):
    i = plsc.bitcast(d, jnp.int32)
    y = plsc.bitcast(jnp.int32(0x5F3759DF) - (i >> 1), jnp.float32)
    for _ in range(3):
        y = y * (1.5 - 0.5 * d * y * y)
    return y


def _sc_adj_body(ei_hbm, ew_hbm, a_hbm, ei_v, ew_v, deg_v, dinv_v, a_v, sem):
    wid = lax.axis_index("s") * 2 + lax.axis_index("c")

    @pl.when(wid == 0)
    def _():
        zeros = jnp.zeros((LANES,), jnp.float32)

        in_dmas = [
            pltpu.async_copy(ei_hbm, ei_v, sem),
            pltpu.async_copy(ew_hbm, ew_v, sem),
        ]
        for r in range(N):
            a_v[r, pl.ds(0, LANES)] = zeros
            a_v[r, pl.ds(LANES, LANES)] = zeros
        for d in in_dmas:
            d.wait()

        for j in range(NPAD // LANES):
            deg_v[pl.ds(j * LANES, LANES)] = zeros
        for k in range(E // LANES):
            rv = ei_v[0, pl.ds(k * LANES, LANES)]
            wv = ew_v[pl.ds(k * LANES, LANES)]
            plsc.addupdate_scatter(deg_v, [rv], wv)

        for j in range(NPAD // LANES):
            d = deg_v[pl.ds(j * LANES, LANES)]
            dinv_v[pl.ds(j * LANES, LANES)] = jnp.where(
                d > 0.0, _newton_rsqrt(d), 0.0)

        for k in range(E // LANES):
            rv = ei_v[0, pl.ds(k * LANES, LANES)]
            cv = ei_v[1, pl.ds(k * LANES, LANES)]
            wv = ew_v[pl.ds(k * LANES, LANES)]
            dr = plsc.load_gather(dinv_v, [rv])
            dc = plsc.load_gather(dinv_v, [cv])
            plsc.addupdate_scatter(a_v, [rv, cv], -(dr * wv * dc))

        pltpu.sync_copy(a_v, a_hbm)


@jax.jit
def _sc_adj(ei, ew):
    mesh = plsc.VectorSubcoreMesh(core_axis_name="c", subcore_axis_name="s",
                                  num_cores=1)
    f = pl.kernel(
        _sc_adj_body, mesh=mesh,
        compiler_params=pltpu.CompilerParams(needs_layout_passes=False),
        out_type=jax.ShapeDtypeStruct((N, NPAD), jnp.float32),
        scratch_types=[
            pltpu.VMEM((2, E), jnp.int32),
            pltpu.VMEM((E,), jnp.float32),
            pltpu.VMEM((NPAD,), jnp.float32),
            pltpu.VMEM((NPAD,), jnp.float32),
            pltpu.VMEM((N, NPAD), jnp.float32),
            pltpu.SemaphoreType.DMA,
        ],
    )
    return f(ei, ew)


def _tc_xmm_kernel(x_ref, wz_ref, wh_ref, x0_ref, x1_ref):
    f32 = jnp.float32
    x = x_ref[:]
    x0_ref[0] = jnp.dot(x, wz_ref[0], preferred_element_type=f32)
    x1_ref[0] = jnp.dot(x, wz_ref[1], preferred_element_type=f32)
    x0_ref[1] = jnp.dot(x, wh_ref[0], preferred_element_type=f32)
    x1_ref[1] = jnp.dot(x, wh_ref[1], preferred_element_type=f32)


def _tc_gates_kernel(a_ref, x0_ref, x1_ref, uz_ref, uh_ref,
                     bz_ref, bh_ref, out_ref):
    f32 = jnp.float32
    a = a_ref[:, :N]
    cz = jax.nn.relu(
        x0_ref[0] + jnp.dot(a, x1_ref[0], preferred_element_type=f32))
    ch = jax.nn.relu(
        x0_ref[1] + jnp.dot(a, x1_ref[1], preferred_element_type=f32))
    z = jax.nn.sigmoid(
        jax.lax.dot_general(cz, uz_ref[:], (((1,), (1,)), ((), ())),
                            preferred_element_type=f32) + bz_ref[:])
    ht = jnp.tanh(
        jax.lax.dot_general(ch, uh_ref[:], (((1,), (1,)), ((), ())),
                            preferred_element_type=f32) + bh_ref[:])
    out_ref[:] = z * ht


def kernel(X, edge_index, edge_weight, W_xz, W_qz, W_xr, W_qr, W_xh, W_qh,
           w_x_z, w_q_z, w_x_r, w_q_r, w_x_h, w_q_h, b_z, b_r, b_h):
    ei = edge_index.astype(jnp.int32)
    ew = edge_weight.astype(jnp.float32)
    a = _sc_adj(ei, ew)
    x0, x1 = pl.pallas_call(
        _tc_xmm_kernel,
        out_shape=[jax.ShapeDtypeStruct((2, N, C), jnp.float32)] * 2,
    )(X, W_xz, W_xh)
    return pl.pallas_call(
        _tc_gates_kernel,
        out_shape=jax.ShapeDtypeStruct((N, C), jnp.float32),
    )(a, x0, x1, w_x_z, w_x_h, b_z, b_h)

# --- scband reference (transcript-rebuilt; emitter-appended) ---
"""Pipeline reference for scband-gconv-gru-w-42691974922287 (READ-ONLY COPY).

The authoritative reference and input builder live on the scoring server;
editing this copy changes nothing except your own understanding.
"""

import jax, jax.numpy as jnp
import numpy as np

N_NODES = 24
E = 384
IN_C = 512
OUT_C = 512
K = 2
LMAX = 2.0


def _glorot(key, shape):
    fan_in, fan_out = shape[-2], shape[-1]
    s = jnp.sqrt(6.0 / (fan_in + fan_out))
    return jax.random.uniform(key, shape, minval=-s, maxval=s, dtype=jnp.float32)


def setup_inputs(seed: int = 0) -> dict:
    key = jax.random.key(seed)
    ks = jax.random.split(key, 16)
    X = jax.random.normal(ks[0], (N_NODES, IN_C), dtype=jnp.float32)
    edge_index = jax.random.randint(ks[1], (2, E), 0, N_NODES, dtype=jnp.int64 if jax.config.jax_enable_x64 else jnp.int32)
    edge_weight = jax.random.uniform(ks[2], (E,), dtype=jnp.float32)
    d = {"X": X, "edge_index": edge_index, "edge_weight": edge_weight}
    d["W_xz"] = _glorot(ks[3], (K, IN_C, OUT_C))
    d["W_qz"] = _glorot(ks[4], (K, OUT_C, OUT_C))
    d["W_xr"] = _glorot(ks[5], (K, IN_C, OUT_C))
    d["W_qr"] = _glorot(ks[6], (K, OUT_C, OUT_C))
    d["W_xh"] = _glorot(ks[7], (K, IN_C, OUT_C))
    d["W_qh"] = _glorot(ks[8], (K, OUT_C, OUT_C))
    d["w_x_z"] = _glorot(ks[9], (OUT_C, OUT_C))
    d["w_q_z"] = _glorot(ks[10], (OUT_C, OUT_C))
    d["w_x_r"] = _glorot(ks[11], (OUT_C, OUT_C))
    d["w_q_r"] = _glorot(ks[12], (OUT_C, OUT_C))
    d["w_x_h"] = _glorot(ks[13], (OUT_C, OUT_C))
    d["w_q_h"] = _glorot(ks[14], (OUT_C, OUT_C))
    d["b_z"] = jnp.zeros((24, OUT_C), dtype=jnp.float32)
    d["b_r"] = jnp.zeros((24, OUT_C), dtype=jnp.float32)
    d["b_h"] = jnp.zeros((24, OUT_C), dtype=jnp.float32)
    return d


def _cheb_norm(edge_index, edge_weight, n):
    row, col = edge_index[0], edge_index[1]
    deg = jax.ops.segment_sum(edge_weight, row, num_segments=n)
    dinv = jnp.where(deg > 0, deg ** -0.5, 0.0)
    wn = -(2.0 / LMAX) * dinv[row] * edge_weight * dinv[col]
    diag = 2.0 / LMAX - 1.0
    return wn, diag


def _cheb_conv(x, edge_index, wn, diag, W):
    n = x.shape[0]
    row, col = edge_index[0], edge_index[1]
    def prop(h):
        return jax.ops.segment_sum(wn[:, None] * h[col], row, num_segments=n) + diag * h
    Tx0 = x
    out = Tx0 @ W[0]
    Tx1 = prop(Tx0)
    out = out + Tx1 @ W[1]
    for k in range(2, W.shape[0]):
        Tx2 = 2.0 * prop(Tx1) - Tx0
        out = out + Tx2 @ W[k]
        Tx0, Tx1 = Tx1, Tx2
    return jax.nn.relu(out)


def reference(X, edge_index, edge_weight, W_xz, W_qz, W_xr, W_qr, W_xh, W_qh, w_x_z, w_q_z, w_x_r, w_q_r, w_x_h, w_q_h, b_z, b_r, b_h):
    n = X.shape[0]
    wn, diag = _cheb_norm(edge_index, edge_weight, n)
    H = jnp.zeros((n, OUT_C), dtype=X.dtype)
    Z = jax.nn.sigmoid(_cheb_conv(X, edge_index, wn, diag, W_xz) @ w_x_z.T + _cheb_conv(H, edge_index, wn, diag, W_qz) @ w_q_z.T + b_z)
    R = jax.nn.sigmoid(_cheb_conv(X, edge_index, wn, diag, W_xr) @ w_x_r.T + _cheb_conv(H, edge_index, wn, diag, W_qr) @ w_q_r.T + b_r)
    H_tilde = jnp.tanh(_cheb_conv(X, edge_index, wn, diag, W_xh) @ w_x_h.T + _cheb_conv(H * R, edge_index, wn, diag, W_qh) @ w_q_h.T + b_h)
    H_new = Z * H_tilde + (1.0 - Z) * H
    return H_new

if __name__ == "__main__":
    import jax
    _d = setup_inputs()
    print(jax.jit(kernel)(*tuple(_d.values())))

</pallas_src>

<mosaic_0001>
#map = affine_map<(d0, d1) -> (0, 0)>
#map1 = affine_map<(d0, d1) -> (0)>
module attributes {stable_mosaic.version = 14 : i64} {
  func.func @_sc_adj_body(%arg0: i32, %arg1: i32, %arg2: memref<2x384xi32, #tpu.memory_space<hbm>>, %arg3: memref<384xf32, #tpu.memory_space<hbm>>, %arg4: memref<24x32xf32, #tpu.memory_space<hbm>>, %arg5: memref<2x384xi32, #tpu.memory_space<vmem>>, %arg6: memref<384xf32, #tpu.memory_space<vmem>>, %arg7: memref<32xf32, #tpu.memory_space<vmem>>, %arg8: memref<32xf32, #tpu.memory_space<vmem>>, %arg9: memref<24x32xf32, #tpu.memory_space<vmem>>, %arg10: memref<!tpu.dma_semaphore, #tpu.memory_space<semaphore_mem>>) attributes {dimension_semantics = [#tpu.dimension_semantics<core_parallel>, #tpu.dimension_semantics<subcore_parallel>], iteration_bounds = array<i64: 1, 16>, scalar_prefetch = 0 : i64, scratch_operands = 6 : i64, tpu.core_type = #tpu.core_type<sc_vector_subcore>, window_params = [{transform_indices = #map}, {transform_indices = #map1}, {transform_indices = #map}]} {
    %mul3A = arith.constant 2 : i32
    %mul3A_0 = arith.muli %arg1, %mul3A : i32
    %add3A = arith.addi %mul3A_0, %arg0 : i32
    %eq3A = arith.constant 0 : i32
    %eq3A_1 = arith.cmpi eq, %add3A, %eq3A : i32
    %convert_element_type3A = arith.extui %eq3A_1 : i1 to i32
    %cond3A = arith.constant 0 : i32
    %cond3A_2 = arith.cmpi ne, %convert_element_type3A, %cond3A : i32
    scf.if %cond3A_2 {
      %broadcast_in_dim3A = arith.constant 0.000000e+00 : f32
      %broadcast_in_dim3A_3 = vector.broadcast %broadcast_in_dim3A : f32 to vector<16xf32>
      tpu.enqueue_dma source(%arg2 : memref<2x384xi32, #tpu.memory_space<hbm>>) target(%arg5 : memref<2x384xi32, #tpu.memory_space<vmem>>) target_semaphore(%arg10 : memref<!tpu.dma_semaphore, #tpu.memory_space<semaphore_mem>>)
      tpu.enqueue_dma source(%arg3 : memref<384xf32, #tpu.memory_space<hbm>>) target(%arg6 : memref<384xf32, #tpu.memory_space<vmem>>) target_semaphore(%arg10 : memref<!tpu.dma_semaphore, #tpu.memory_space<semaphore_mem>>)
      %swap3A = arith.constant 0 : i32
      %swap3A_4 = arith.index_cast %swap3A : i32 to index
      %swap3A_5 = arith.constant 0 : index
      %swap3A_6 = tpu.vector_load %arg9[%swap3A_4, %swap3A_5] {strides = array<i32>} : memref<24x32xf32, #tpu.memory_space<vmem>>, vector<16xf32>,
      tpu.vector_store %arg9[%swap3A_4, %swap3A_5], %broadcast_in_dim3A_3 {strides = array<i32>} : memref<24x32xf32, #tpu.memory_space<vmem>>, vector<16xf32>,
      %swap3A_7 = arith.constant 0 : i32
      %swap3A_8 = arith.index_cast %swap3A_7 : i32 to index
      %swap3A_9 = arith.constant 16 : index
      %swap3A_10 = tpu.vector_load %arg9[%swap3A_8, %swap3A_9] {strides = array<i32>} : memref<24x32xf32, #tpu.memory_space<vmem>>, vector<16xf32>,
      tpu.vector_store %arg9[%swap3A_8, %swap3A_9], %broadcast_in_dim3A_3 {strides = array<i32>} : memref<24x32xf32, #tpu.memory_space<vmem>>, vector<16xf32>,
      %swap3A_11 = arith.constant 1 : i32
      %swap3A_12 = arith.index_cast %swap3A_11 : i32 to index
      %swap3A_13 = arith.constant 0 : index
      %swap3A_14 = tpu.vector_load %arg9[%swap3A_12, %swap3A_13] {strides = array<i32>} : memref<24x32xf32, #tpu.memory_space<vmem>>, vector<16xf32>,
      tpu.vector_store %arg9[%swap3A_12, %swap3A_13], %broadcast_in_dim3A_3 {strides = array<i32>} : memref<24x32xf32, #tpu.memory_space<vmem>>, vector<16xf32>,
      %swap3A_15 = arith.constant 1 : i32
      %swap3A_16 = arith.index_cast %swap3A_15 : i32 to index
      %swap3A_17 = arith.constant 16 : index
      %swap3A_18 = tpu.vector_load %arg9[%swap3A_16, %swap3A_17] {strides = array<i32>} : memref<24x32xf32, #tpu.memory_space<vmem>>, vector<16xf32>,
      tpu.vector_store %arg9[%swap3A_16, %swap3A_17], %broadcast_in_dim3A_3 {strides = array<i32>} : memref<24x32xf32, #tpu.memory_space<vmem>>, vector<16xf32>,
      %swap3A_19 = arith.constant 2 : i32
      %swap3A_20 = arith.index_cast %swap3A_19 : i32 to index
      %swap3A_21 = arith.constant 0 : index
      %swap3A_22 = tpu.vector_load %arg9[%swap3A_20, %swap3A_21] {strides = array<i32>} : memref<24x32xf32, #tpu.memory_space<vmem>>, vector<16xf32>,
      tpu.vector_store %arg9[%swap3A_20, %swap3A_21], %broadcast_in_dim3A_3 {strides = array<i32>} : memref<24x32xf32, #tpu.memory_space<vmem>>, vector<16xf32>,
      %swap3A_23 = arith.constant 2 : i32
      %swap3A_24 = arith.index_cast %swap3A_23 : i32 to index
      %swap3A_25 = arith.constant 16 : index
      %swap3A_26 = tpu.vector_load %arg9[%swap3A_24, %swap3A_25] {strides = array<i32>} : memref<24x32xf32, #tpu.memory_space<vmem>>, vector<16xf32>,
      tpu.vector_store %arg9[%swap3A_24, %swap3A_25], %broadcast_in_dim3A_3 {strides = array<i32>} : memref<24x32xf32, #tpu.memory_space<vmem>>, vector<16xf32>,
      %swap3A_27 = arith.constant 3 : i32
      %swap3A_28 = arith.index_cast %swap3A_27 : i32 to index
      %swap3A_29 = arith.constant 0 : index
      %swap3A_30 = tpu.vector_load %arg9[%swap3A_28, %swap3A_29] {strides = array<i32>} : memref<24x32xf32, #tpu.memory_space<vmem>>, vector<16xf32>,
      tpu.vector_store %arg9[%swap3A_28, %swap3A_29], %broadcast_in_dim3A_3 {strides = array<i32>} : memref<24x32xf32, #tpu.memory_space<vmem>>, vector<16xf32>,
      %swap3A_31 = arith.constant 3 : i32
      %swap3A_32 = arith.index_cast %swap3A_31 : i32 to index
      %swap3A_33 = arith.constant 16 : index
      %swap3A_34 = tpu.vector_load %arg9[%swap3A_32, %swap3A_33] {strides = array<i32>} : memref<24x32xf32, #tpu.memory_space<vmem>>, vector<16xf32>,
      tpu.vector_store %arg9[%swap3A_32, %swap3A_33], %broadcast_in_dim3A_3 {strides = array<i32>} : memref<24x32xf32, #tpu.memory_space<vmem>>, vector<16xf32>,
      %swap3A_35 = arith.constant 4 : i32
      %swap3A_36 = arith.index_cast %swap3A_35 : i32 to index
      %swap3A_37 = arith.constant 0 : index
      %swap3A_38 = tpu.vector_load %arg9[%swap3A_36, %swap3A_37] {strides = array<i32>} : memref<24x32xf32, #tpu.memory_space<vmem>>, vector<16xf32>,
      tpu.vector_store %arg9[%swap3A_36, %swap3A_37], %broadcast_in_dim3A_3 {strides = array<i32>} : memref<24x32xf32, #tpu.memory_space<vmem>>, vector<16xf32>,
      %swap3A_39 = arith.constant 4 : i32
      %swap3A_40 = arith.index_cast %swap3A_39 : i32 to index
      %swap3A_41 = arith.constant 16 : index
      %swap3A_42 = tpu.vector_load %arg9[%swap3A_40, %swap3A_41] {strides = array<i32>} : memref<24x32xf32, #tpu.memory_space<vmem>>, vector<16xf32>,
      tpu.vector_store %arg9[%swap3A_40, %swap3A_41], %broadcast_in_dim3A_3 {strides = array<i32>} : memref<24x32xf32, #tpu.memory_space<vmem>>, vector<16xf32>,
      %swap3A_43 = arith.constant 5 : i32
      %swap3A_44 = arith.index_cast %swap3A_43 : i32 to index
      %swap3A_45 = arith.constant 0 : index
      %swap3A_46 = tpu.vector_load %arg9[%swap3A_44, %swap3A_45] {strides = array<i32>} : memref<24x32xf32, #tpu.memory_space<vmem>>, vector<16xf32>,
      tpu.vector_store %arg9[%swap3A_44, %swap3A_45], %broadcast_in_dim3A_3 {strides = array<i32>} : memref<24x32xf32, #tpu.memory_space<vmem>>, vector<16xf32>,
      %swap3A_47 = arith.constant 5 : i32
      %swap3A_48 = arith.index_cast %swap3A_47 : i32 to index
      %swap3A_49 = arith.constant 16 : index
      %swap3A_50 = tpu.vector_load %arg9[%swap3A_48, %swap3A_49] {strides = array<i32>} : memref<24x32xf32, #tpu.memory_space<vmem>>, vector<16xf32>,
      tpu.vector_store %arg9[%swap3A_48, %swap3A_49], %broadcast_in_dim3A_3 {strides = array<i32>} : memref<24x32xf32, #tpu.memory_space<vmem>>, vector<16xf32>,
      %swap3A_51 = arith.constant 6 : i32
      %swap3A_52 = arith.index_cast %swap3A_51 : i32 to index
      %swap3A_53 = arith.constant 0 : index
      %swap3A_54 = tpu.vector_load %arg9[%swap3A_52, %swap3A_53] {strides = array<i32>} : memref<24x32xf32, #tpu.memory_space<vmem>>, vector<16xf32>,
      tpu.vector_store %arg9[%swap3A_52, %swap3A_53], %broadcast_in_dim3A_3 {strides = array<i32>} : memref<24x32xf32, #tpu.memory_space<vmem>>, vector<16xf32>,
      %swap3A_55 = arith.constant 6 : i32
      %swap3A_56 = arith.index_cast %swap3A_55 : i32 to index
      %swap3A_57 = arith.constant 16 : index
      %swap3A_58 = tpu.vector_load %arg9[%swap3A_56, %swap3A_57] {strides = array<i32>} : memref<24x32xf32, #tpu.memory_space<vmem>>, vector<16xf32>,
      tpu.vector_store %arg9[%swap3A_56, %swap3A_57], %broadcast_in_dim3A_3 {strides = array<i32>} : memref<24x32xf32, #tpu.memory_space<vmem>>, vector<16xf32>,
      %swap3A_59 = arith.constant 7 : i32
      %swap3A_60 = arith.index_cast %swap3A_59 : i32 to index
      %swap3A_61 = arith.constant 0 : index
      %swap3A_62 = tpu.vector_load %arg9[%swap3A_60, %swap3A_61] {strides = array<i32>} : memref<24x32xf32, #tpu.memory_space<vmem>>, vector<16xf32>,
      tpu.vector_store %arg9[%swap3A_60, %swap3A_61], %broadcast_in_dim3A_3 {strides = array<i32>} : memref<24x32xf32, #tpu.memory_space<vmem>>, vector<16xf32>,
      %swap3A_63 = arith.constant 7 : i32
      %swap3A_64 = arith.index_cast %swap3A_63 : i32 to index
      %swap3A_65 = arith.constant 16 : index
      %swap3A_66 = tpu.vector_load %arg9[%swap3A_64, %swap3A_65] {strides = array<i32>} : memref<24x32xf32, #tpu.memory_space<vmem>>, vector<16xf32>,
      tpu.vector_store %arg9[%swap3A_64, %swap3A_65], %broadcast_in_dim3A_3 {strides = array<i32>} : memref<24x32xf32, #tpu.memory_space<vmem>>, vector<16xf32>,
      %swap3A_67 = arith.constant 8 : i32
      %swap3A_68 = arith.index_cast %swap3A_67 : i32 to index
      %swap3A_69 = arith.constant 0 : index
      %swap3A_70 = tpu.vector_load %arg9[%swap3A_68, %swap3A_69] {strides = array<i32>} : memref<24x32xf32, #tpu.memory_space<vmem>>, vector<16xf32>,
      tpu.vector_store %arg9[%swap3A_68, %swap3A_69], %broadcast_in_dim3A_3 {strides = array<i32>} : memref<24x32xf32, #tpu.memory_space<vmem>>, vector<16xf32>,
      %swap3A_71 = arith.constant 8 : i32
      %swap3A_72 = arith.index_cast %swap3A_71 : i32 to index
      %swap3A_73 = arith.constant 16 : index
      %swap3A_74 = tpu.vector_load %arg9[%swap3A_72, %swap3A_73] {strides = array<i32>} : memref<24x32xf32, #tpu.memory_space<vmem>>, vector<16xf32>,
      tpu.vector_store %arg9[%swap3A_72, %swap3A_73], %broadcast_in_dim3A_3 {strides = array<i32>} : memref<24x32xf32, #tpu.memory_space<vmem>>, vector<16xf32>,
      %swap3A_75 = arith.constant 9 : i32
      %swap3A_76 = arith.index_cast %swap3A_75 : i32 to index
      %swap3A_77 = arith.constant 0 : index
      %swap3A_78 = tpu.vector_load %arg9[%swap3A_76, %swap3A_77] {strides = array<i32>} : memref<24x32xf32, #tpu.memory_space<vmem>>, vector<16xf32>,
      tpu.vector_store %arg9[%swap3A_76, %swap3A_77], %broadcast_in_dim3A_3 {strides = array<i32>} : memref<24x32xf32, #tpu.memory_space<vmem>>, vector<16xf32>,
      %swap3A_79 = arith.constant 9 : i32
      %swap3A_80 = arith.index_cast %swap3A_79 : i32 to index
      %swap3A_81 = arith.constant 16 : index
      %swap3A_82 = tpu.vector_load %arg9[%swap3A_80, %swap3A_81] {strides = array<i32>} : memref<24x32xf32, #tpu.memory_space<vmem>>, vector<16xf32>,
      tpu.vector_store %arg9[%swap3A_80, %swap3A_81], %broadcast_in_dim3A_3 {strides = array<i32>} : memref<24x32xf32, #tpu.memory_space<vmem>>, vector<16xf32>,
      %swap3A_83 = arith.constant 10 : i32
      %swap3A_84 = arith.index_cast %swap3A_83 : i32 to index
      %swap3A_85 = arith.constant 0 : index
      %swap3A_86 = tpu.vector_load %arg9[%swap3A_84, %swap3A_85] {strides = array<i32>} : memref<24x32xf32, #tpu.memory_space<vmem>>, vector<16xf32>,
      tpu.vector_store %arg9[%swap3A_84, %swap3A_85], %broadcast_in_dim3A_3 {strides = array<i32>} : memref<24x32xf32, #tpu.memory_space<vmem>>, vector<16xf32>,
      %swap3A_87 = arith.constant 10 : i32
      %swap3A_88 = arith.index_cast %swap3A_87 : i32 to index
      %swap3A_89 = arith.constant 16 : index
      %swap3A_90 = tpu.vector_load %arg9[%swap3A_88, %swap3A_89] {strides = array<i32>} : memref<24x32xf32, #tpu.memory_space<vmem>>, vector<16xf32>,
      tpu.vector_store %arg9[%swap3A_88, %swap3A_89], %broadcast_in_dim3A_3 {strides = array<i32>} : memref<24x32xf32, #tpu.memory_space<vmem>>, vector<16xf32>,
      %swap3A_91 = arith.constant 11 : i32
      %swap3A_92 = arith.index_cast %swap3A_91 : i32 to index
      %swap3A_93 = arith.constant 0 : index
      %swap3A_94 = tpu.vector_load %arg9[%swap3A_92, %swap3A_93] {strides = array<i32>} : memref<24x32xf32, #tpu.memory_space<vmem>>, vector<16xf32>,
      tpu.vector_store %arg9[%swap3A_92, %swap3A_93], %broadcast_in_dim3A_3 {strides = array<i32>} : memref<24x32xf32, #tpu.memory_space<vmem>>, vector<16xf32>,
      %swap3A_95 = arith.constant 11 : i32
      %swap3A_96 = arith.index_cast %swap3A_95 : i32 to index
      %swap3A_97 = arith.constant 16 : index
      %swap3A_98 = tpu.vector_load %arg9[%swap3A_96, %swap3A_97] {strides = array<i32>} : memref<24x32xf32, #tpu.memory_space<vmem>>, vector<16xf32>,
      tpu.vector_store %arg9[%swap3A_96, %swap3A_97], %broadcast_in_dim3A_3 {strides = array<i32>} : memref<24x32xf32, #tpu.memory_space<vmem>>, vector<16xf32>,
      %swap3A_99 = arith.constant 12 : i32
      %swap3A_100 = arith.index_cast %swap3A_99 : i32 to index
      %swap3A_101 = arith.constant 0 : index
      %swap3A_102 = tpu.vector_load %arg9[%swap3A_100, %swap3A_101] {strides = array<i32>} : memref<24x32xf32, #tpu.memory_space<vmem>>, vector<16xf32>,
      tpu.vector_store %arg9[%swap3A_100, %swap3A_101], %broadcast_in_dim3A_3 {strides = array<i32>} : memref<24x32xf32, #tpu.memory_space<vmem>>, vector<16xf32>,
      %swap3A_103 = arith.constant 12 : i32
      %swap3A_104 = arith.index_cast %swap3A_103 : i32 to index
      %swap3A_105 = arith.constant 16 : index
      %swap3A_106 = tpu.vector_load %arg9[%swap3A_104, %swap3A_105] {strides = array<i32>} : memref<24x32xf32, #tpu.memory_space<vmem>>, vector<16xf32>,
      tpu.vector_store %arg9[%swap3A_104, %swap3A_105], %broadcast_in_dim3A_3 {strides = array<i32>} : memref<24x32xf32, #tpu.memory_space<vmem>>, vector<16xf32>,
      %swap3A_107 = arith.constant 13 : i32
      %swap3A_108 = arith.index_cast %swap3A_107 : i32 to index
      %swap3A_109 = arith.constant 0 : index
      %swap3A_110 = tpu.vector_load %arg9[%swap3A_108, %swap3A_109] {strides = array<i32>} : memref<24x32xf32, #tpu.memory_space<vmem>>, vector<16xf32>,
      tpu.vector_store %arg9[%swap3A_108, %swap3A_109], %broadcast_in_dim3A_3 {strides = array<i32>} : memref<24x32xf32, #tpu.memory_space<vmem>>, vector<16xf32>,
      %swap3A_111 = arith.constant 13 : i32
      %swap3A_112 = arith.index_cast %swap3A_111 : i32 to index
      %swap3A_113 = arith.constant 16 : index
      %swap3A_114 = tpu.vector_load %arg9[%swap3A_112, %swap3A_113] {strides = array<i32>} : memref<24x32xf32, #tpu.memory_space<vmem>>, vector<16xf32>,
      tpu.vector_store %arg9[%swap3A_112, %swap3A_113], %broadcast_in_dim3A_3 {strides = array<i32>} : memref<24x32xf32, #tpu.memory_space<vmem>>, vector<16xf32>,
      %swap3A_115 = arith.constant 14 : i32
      %swap3A_116 = arith.index_cast %swap3A_115 : i32 to index
      %swap3A_117 = arith.constant 0 : index
      %swap3A_118 = tpu.vector_load %arg9[%swap3A_116, %swap3A_117] {strides = array<i32>} : memref<24x32xf32, #tpu.memory_space<vmem>>, vector<16xf32>,
      tpu.vector_store %arg9[%swap3A_116, %swap3A_117], %broadcast_in_dim3A_3 {strides = array<i32>} : memref<24x32xf32, #tpu.memory_space<vmem>>, vector<16xf32>,
      %swap3A_119 = arith.constant 14 : i32
      %swap3A_120 = arith.index_cast %swap3A_119 : i32 to index
      %swap3A_121 = arith.constant 16 : index
      %swap3A_122 = tpu.vector_load %arg9[%swap3A_120, %swap3A_121] {strides = array<i32>} : memref<24x32xf32, #tpu.memory_space<vmem>>, vector<16xf32>,
      tpu.vector_store %arg9[%swap3A_120, %swap3A_121], %broadcast_in_dim3A_3 {strides = array<i32>} : memref<24x32xf32, #tpu.memory_space<vmem>>, vector<16xf32>,
      %swap3A_123 = arith.constant 15 : i32
      %swap3A_124 = arith.index_cast %swap3A_123 : i32 to index
      %swap3A_125 = arith.constant 0 : index
      %swap3A_126 = tpu.vector_load %arg9[%swap3A_124, %swap3A_125] {strides = array<i32>} : memref<24x32xf32, #tpu.memory_space<vmem>>, vector<16xf32>,
      tpu.vector_store %arg9[%swap3A_124, %swap3A_125], %broadcast_in_dim3A_3 {strides = array<i32>} : memref<24x32xf32, #tpu.memory_space<vmem>>, vector<16xf32>,
      %swap3A_127 = arith.constant 15 : i32
      %swap3A_128 = arith.index_cast %swap3A_127 : i32 to index
      %swap3A_129 = arith.constant 16 : index
      %swap3A_130 = tpu.vector_load %arg9[%swap3A_128, %swap3A_129] {strides = array<i32>} : memref<24x32xf32, #tpu.memory_space<vmem>>, vector<16xf32>,
      tpu.vector_store %arg9[%swap3A_128, %swap3A_129], %broadcast_in_dim3A_3 {strides = array<i32>} : memref<24x32xf32, #tpu.memory_space<vmem>>, vector<16xf32>,
      %swap3A_131 = arith.constant 16 : i32
      %swap3A_132 = arith.index_cast %swap3A_131 : i32 to index
      %swap3A_133 = arith.constant 0 : index
      %swap3A_134 = tpu.vector_load %arg9[%swap3A_132, %swap3A_133] {strides = array<i32>} : memref<24x32xf32, #tpu.memory_space<vmem>>, vector<16xf32>,
      tpu.vector_store %arg9[%swap3A_132, %swap3A_133], %broadcast_in_dim3A_3 {strides = array<i32>} : memref<24x32xf32, #tpu.memory_space<vmem>>, vector<16xf32>,
      %swap3A_135 = arith.constant 16 : i32
      %swap3A_136 = arith.index_cast %swap3A_135 : i32 to index
      %swap3A_137 = arith.constant 16 : index
      %swap3A_138 = tpu.vector_load %arg9[%swap3A_136, %swap3A_137] {strides = array<i32>} : memref<24x32xf32, #tpu.memory_space<vmem>>, vector<16xf32>,
      tpu.vector_store %arg9[%swap3A_136, %swap3A_137], %broadcast_in_dim3A_3 {strides = array<i32>} : memref<24x32xf32, #tpu.memory_space<vmem>>, vector<16xf32>,
      %swap3A_139 = arith.constant 17 : i32
      %swap3A_140 = arith.index_cast %swap3A_139 : i32 to index
      %swap3A_141 = arith.constant 0 : index
      %swap3A_142 = tpu.vector_load %arg9[%swap3A_140, %swap3A_141] {strides = array<i32>} : memref<24x32xf32, #tpu.memory_space<vmem>>, vector<16xf32>,
      tpu.vector_store %arg9[%swap3A_140, %swap3A_141], %broadcast_in_dim3A_3 {strides = array<i32>} : memref<24x32xf32, #tpu.memory_space<vmem>>, vector<16xf32>,
      %swap3A_143 = arith.constant 17 : i32
      %swap3A_144 = arith.index_cast %swap3A_143 : i32 to index
      %swap3A_145 = arith.constant 16 : index
      %swap3A_146 = tpu.vector_load %arg9[%swap3A_144, %swap3A_145] {strides = array<i32>} : memref<24x32xf32, #tpu.memory_space<vmem>>, vector<16xf32>,
      tpu.vector_store %arg9[%swap3A_144, %swap3A_145], %broadcast_in_dim3A_3 {strides = array<i32>} : memref<24x32xf32, #tpu.memory_space<vmem>>, vector<16xf32>,
      %swap3A_147 = arith.constant 18 : i32
      %swap3A_148 = arith.index_cast %swap3A_147 : i32 to index
      %swap3A_149 = arith.constant 0 : index
      %swap3A_150 = tpu.vector_load %arg9[%swap3A_148, %swap3A_149] {strides = array<i32>} : memref<24x32xf32, #tpu.memory_space<vmem>>, vector<16xf32>,
      tpu.vector_store %arg9[%swap3A_148, %swap3A_149], %broadcast_in_dim3A_3 {strides = array<i32>} : memref<24x32xf32, #tpu.memory_space<vmem>>, vector<16xf32>,
      %swap3A_151 = arith.constant 18 : i32
      %swap3A_152 = arith.index_cast %swap3A_151 : i32 to index
      %swap3A_153 = arith.constant 16 : index
      %swap3A_154 = tpu.vector_load %arg9[%swap3A_152, %swap3A_153] {strides = array<i32>} : memref<24x32xf32, #tpu.memory_space<vmem>>, vector<16xf32>,
      tpu.vector_store %arg9[%swap3A_152, %swap3A_153], %broadcast_in_dim3A_3 {strides = array<i32>} : memref<24x32xf32, #tpu.memory_space<vmem>>, vector<16xf32>,
      %swap3A_155 = arith.constant 19 : i32
      %swap3A_156 = arith.index_cast %swap3A_155 : i32 to index
      %swap3A_157 = arith.constant 0 : index
      %swap3A_158 = tpu.vector_load %arg9[%swap3A_156, %swap3A_157] {strides = array<i32>} : memref<24x32xf32, #tpu.memory_space<vmem>>, vector<16xf32>,
      tpu.vector_store %arg9[%swap3A_156, %swap3A_157], %broadcast_in_dim3A_3 {strides = array<i32>} : memref<24x32xf32, #tpu.memory_space<vmem>>, vector<16xf32>,
      %swap3A_159 = arith.constant 19 : i32
      %swap3A_160 = arith.index_cast %swap3A_159 : i32 to index
      %swap3A_161 = arith.constant 16 : index
      %swap3A_162 = tpu.vector_load %arg9[%swap3A_160, %swap3A_161] {strides = array<i32>} : memref<24x32xf32, #tpu.memory_space<vmem>>, vector<16xf32>,
      tpu.vector_store %arg9[%swap3A_160, %swap3A_161], %broadcast_in_dim3A_3 {strides = array<i32>} : memref<24x32xf32, #tpu.memory_space<vmem>>, vector<16xf32>,
      %swap3A_163 = arith.constant 20 : i32
      %swap3A_164 = arith.index_cast %swap3A_163 : i32 to index
      %swap3A_165 = arith.constant 0 : index
      %swap3A_166 = tpu.vector_load %arg9[%swap3A_164, %swap3A_165] {strides = array<i32>} : memref<24x32xf32, #tpu.memory_space<vmem>>, vector<16xf32>,
      tpu.vector_store %arg9[%swap3A_164, %swap3A_165], %broadcast_in_dim3A_3 {strides = array<i32>} : memref<24x32xf32, #tpu.memory_space<vmem>>, vector<16xf32>,
      %swap3A_167 = arith.constant 20 : i32
      %swap3A_168 = arith.index_cast %swap3A_167 : i32 to index
      %swap3A_169 = arith.constant 16 : index
      %swap3A_170 = tpu.vector_load %arg9[%swap3A_168, %swap3A_169] {strides = array<i32>} : memref<24x32xf32, #tpu.memory_space<vmem>>, vector<16xf32>,
      tpu.vector_store %arg9[%swap3A_168, %swap3A_169], %broadcast_in_dim3A_3 {strides = array<i32>} : memref<24x32xf32, #tpu.memory_space<vmem>>, vector<16xf32>,
      %swap3A_171 = arith.constant 21 : i32
      %swap3A_172 = arith.index_cast %swap3A_171 : i32 to index
      %swap3A_173 = arith.constant 0 : index
      %swap3A_174 = tpu.vector_load %arg9[%swap3A_172, %swap3A_173] {strides = array<i32>} : memref<24x32xf32, #tpu.memory_space<vmem>>, vector<16xf32>,
      tpu.vector_store %arg9[%swap3A_172, %swap3A_173], %broadcast_in_dim3A_3 {strides = array<i32>} : memref<24x32xf32, #tpu.memory_space<vmem>>, vector<16xf32>,
      %swap3A_175 = arith.constant 21 : i32
      %swap3A_176 = arith.index_cast %swap3A_175 : i32 to index
      %swap3A_177 = arith.constant 16 : index
      %swap3A_178 = tpu.vector_load %arg9[%swap3A_176, %swap3A_177] {strides = array<i32>} : memref<24x32xf32, #tpu.memory_space<vmem>>, vector<16xf32>,
      tpu.vector_store %arg9[%swap3A_176, %swap3A_177], %broadcast_in_dim3A_3 {strides = array<i32>} : memref<24x32xf32, #tpu.memory_space<vmem>>, vector<16xf32>,
      %swap3A_179 = arith.constant 22 : i32
      %swap3A_180 = arith.index_cast %swap3A_179 : i32 to index
      %swap3A_181 = arith.constant 0 : index
      %swap3A_182 = tpu.vector_load %arg9[%swap3A_180, %swap3A_181] {strides = array<i32>} : memref<24x32xf32, #tpu.memory_space<vmem>>, vector<16xf32>,
      tpu.vector_store %arg9[%swap3A_180, %swap3A_181], %broadcast_in_dim3A_3 {strides = array<i32>} : memref<24x32xf32, #tpu.memory_space<vmem>>, vector<16xf32>,
      %swap3A_183 = arith.constant 22 : i32
      %swap3A_184 = arith.index_cast %swap3A_183 : i32 to index
      %swap3A_185 = arith.constant 16 : index
      %swap3A_186 = tpu.vector_load %arg9[%swap3A_184, %swap3A_185] {strides = array<i32>} : memref<24x32xf32, #tpu.memory_space<vmem>>, vector<16xf32>,
      tpu.vector_store %arg9[%swap3A_184, %swap3A_185], %broadcast_in_dim3A_3 {strides = array<i32>} : memref<24x32xf32, #tpu.memory_space<vmem>>, vector<16xf32>,
      %swap3A_187 = arith.constant 23 : i32
      %swap3A_188 = arith.index_cast %swap3A_187 : i32 to index
      %swap3A_189 = arith.constant 0 : index
      %swap3A_190 = tpu.vector_load %arg9[%swap3A_188, %swap3A_189] {strides = array<i32>} : memref<24x32xf32, #tpu.memory_space<vmem>>, vector<16xf32>,
      tpu.vector_store %arg9[%swap3A_188, %swap3A_189], %broadcast_in_dim3A_3 {strides = array<i32>} : memref<24x32xf32, #tpu.memory_space<vmem>>, vector<16xf32>,
      %swap3A_191 = arith.constant 23 : i32
      %swap3A_192 = arith.index_cast %swap3A_191 : i32 to index
      %swap3A_193 = arith.constant 16 : index
      %swap3A_194 = tpu.vector_load %arg9[%swap3A_192, %swap3A_193] {strides = array<i32>} : memref<24x32xf32, #tpu.memory_space<vmem>>, vector<16xf32>,
      tpu.vector_store %arg9[%swap3A_192, %swap3A_193], %broadcast_in_dim3A_3 {strides = array<i32>} : memref<24x32xf32, #tpu.memory_space<vmem>>, vector<16xf32>,
      tpu.wait_dma2 semaphore(%arg10 : memref<!tpu.dma_semaphore, #tpu.memory_space<semaphore_mem>>) src(%arg2 : memref<2x384xi32, #tpu.memory_space<hbm>>) dst(%arg5 : memref<2x384xi32, #tpu.memory_space<vmem>>)
      tpu.wait_dma2 semaphore(%arg10 : memref<!tpu.dma_semaphore, #tpu.memory_space<semaphore_mem>>) src(%arg3 : memref<384xf32, #tpu.memory_space<hbm>>) dst(%arg6 : memref<384xf32, #tpu.memory_space<vmem>>)
      %swap3A_195 = arith.constant 0 : index
      %swap3A_196 = tpu.vector_load %arg7[%swap3A_195] {strides = array<i32>} : memref<32xf32, #tpu.memory_space<vmem>>, vector<16xf32>,
      tpu.vector_store %arg7[%swap3A_195], %broadcast_in_dim3A_3 {strides = array<i32>} : memref<32xf32, #tpu.memory_space<vmem>>, vector<16xf32>,
      %swap3A_197 = arith.constant 16 : index
      %swap3A_198 = tpu.vector_load %arg7[%swap3A_197] {strides = array<i32>} : memref<32xf32, #tpu.memory_space<vmem>>, vector<16xf32>,
      tpu.vector_store %arg7[%swap3A_197], %broadcast_in_dim3A_3 {strides = array<i32>} : memref<32xf32, #tpu.memory_space<vmem>>, vector<16xf32>,
      %get3A = arith.constant 0 : i32
      %get3A_199 = arith.index_cast %get3A : i32 to index
      %get3A_200 = arith.constant 0 : index
      %get3A_201 = tpu.vector_load %arg5[%get3A_199, %get3A_200] {strides = array<i32>} : memref<2x384xi32, #tpu.memory_space<vmem>>, vector<16xi32>,
      %get3A_202 = arith.constant 0 : index
      %get3A_203 = tpu.vector_load %arg6[%get3A_202] {strides = array<i32>} : memref<384xf32, #tpu.memory_space<vmem>>, vector<16xf32>,
      tpu.vector_store_idx %arg7[%get3A_201], %get3A_203 {add = true} : memref<32xf32, #tpu.memory_space<vmem>>[vector<16xi32>], vector<16xf32>,
      %get3A_204 = arith.constant 0 : i32
      %get3A_205 = arith.index_cast %get3A_204 : i32 to index
      %get3A_206 = arith.constant 16 : index
      %get3A_207 = tpu.vector_load %arg5[%get3A_205, %get3A_206] {strides = array<i32>} : memref<2x384xi32, #tpu.memory_space<vmem>>, vector<16xi32>,
      %get3A_208 = arith.constant 16 : index
      %get3A_209 = tpu.vector_load %arg6[%get3A_208] {strides = array<i32>} : memref<384xf32, #tpu.memory_space<vmem>>, vector<16xf32>,
      tpu.vector_store_idx %arg7[%get3A_207], %get3A_209 {add = true} : memref<32xf32, #tpu.memory_space<vmem>>[vector<16xi32>], vector<16xf32>,
      %get3A_210 = arith.constant 0 : i32
      %get3A_211 = arith.index_cast %get3A_210 : i32 to index
      %get3A_212 = arith.constant 32 : index
      %get3A_213 = tpu.vector_load %arg5[%get3A_211, %get3A_212] {strides = array<i32>} : memref<2x384xi32, #tpu.memory_space<vmem>>, vector<16xi32>,
      %get3A_214 = arith.constant 32 : index
      %get3A_215 = tpu.vector_load %arg6[%get3A_214] {strides = array<i32>} : memref<384xf32, #tpu.memory_space<vmem>>, vector<16xf32>,
      tpu.vector_store_idx %arg7[%get3A_213], %get3A_215 {add = true} : memref<32xf32, #tpu.memory_space<vmem>>[vector<16xi32>], vector<16xf32>,
      %get3A_216 = arith.constant 0 : i32
      %get3A_217 = arith.index_cast %get3A_216 : i32 to index
      %get3A_218 = arith.constant 48 : index
      %get3A_219 = tpu.vector_load %arg5[%get3A_217, %get3A_218] {strides = array<i32>} : memref<2x384xi32, #tpu.memory_space<vmem>>, vector<16xi32>,
      %get3A_220 = arith.constant 48 : index
      %get3A_221 = tpu.vector_load %arg6[%get3A_220] {strides = array<i32>} : memref<384xf32, #tpu.memory_space<vmem>>, vector<16xf32>,
      tpu.vector_store_idx %arg7[%get3A_219], %get3A_221 {add = true} : memref<32xf32, #tpu.memory_space<vmem>>[vector<16xi32>], vector<16xf32>,
      %get3A_222 = arith.constant 0 : i32
      %get3A_223 = arith.index_cast %get3A_222 : i32 to index
      %get3A_224 = arith.constant 64 : index
      %get3A_225 = tpu.vector_load %arg5[%get3A_223, %get3A_224] {strides = array<i32>} : memref<2x384xi32, #tpu.memory_space<vmem>>, vector<16xi32>,
      %get3A_226 = arith.constant 64 : index
      %get3A_227 = tpu.vector_load %arg6[%get3A_226] {strides = array<i32>} : memref<384xf32, #tpu.memory_space<vmem>>, vector<16xf32>,
      tpu.vector_store_idx %arg7[%get3A_225], %get3A_227 {add = true} : memref<32xf32, #tpu.memory_space<vmem>>[vector<16xi32>], vector<16xf32>,
      %get3A_228 = arith.constant 0 : i32
      %get3A_229 = arith.index_cast %get3A_228 : i32 to index
      %get3A_230 = arith.constant 80 : index
      %get3A_231 = tpu.vector_load %arg5[%get3A_229, %get3A_230] {strides = array<i32>} : memref<2x384xi32, #tpu.memory_space<vmem>>, vector<16xi32>,
      %get3A_232 = arith.constant 80 : index
      %get3A_233 = tpu.vector_load %arg6[%get3A_232] {strides = array<i32>} : memref<384xf32, #tpu.memory_space<vmem>>, vector<16xf32>,
      tpu.vector_store_idx %arg7[%get3A_231], %get3A_233 {add = true} : memref<32xf32, #tpu.memory_space<vmem>>[vector<16xi32>], vector<16xf32>,
      %get3A_234 = arith.constant 0 : i32
      %get3A_235 = arith.index_cast %get3A_234 : i32 to index
      %get3A_236 = arith.constant 96 : index
      %get3A_237 = tpu.vector_load %arg5[%get3A_235, %get3A_236] {strides = array<i32>} : memref<2x384xi32, #tpu.memory_space<vmem>>, vector<16xi32>,
      %get3A_238 = arith.constant 96 : index
      %get3A_239 = tpu.vector_load %arg6[%get3A_238] {strides = array<i32>} : memref<384xf32, #tpu.memory_space<vmem>>, vector<16xf32>,
      tpu.vector_store_idx %arg7[%get3A_237], %get3A_239 {add = true} : memref<32xf32, #tpu.memory_space<vmem>>[vector<16xi32>], vector<16xf32>,
      %get3A_240 = arith.constant 0 : i32
      %get3A_241 = arith.index_cast %get3A_240 : i32 to index
      %get3A_242 = arith.constant 112 : index
      %get3A_243 = tpu.vector_load %arg5[%get3A_241, %get3A_242] {strides = array<i32>} : memref<2x384xi32, #tpu.memory_space<vmem>>, vector<16xi32>,
      %get3A_244 = arith.constant 112 : index
      %get3A_245 = tpu.vector_load %arg6[%get3A_244] {strides = array<i32>} : memref<384xf32, #tpu.memory_space<vmem>>, vector<16xf32>,
      tpu.vector_store_idx %arg7[%get3A_243], %get3A_245 {add = true} : memref<32xf32, #tpu.memory_space<vmem>>[vector<16xi32>], vector<16xf32>,
      %get3A_246 = arith.constant 0 : i32
      %get3A_247 = arith.index_cast %get3A_246 : i32 to index
      %get3A_248 = arith.constant 128 : index
      %get3A_249 = tpu.vector_load %arg5[%get3A_247, %get3A_248] {strides = array<i32>} : memref<2x384xi32, #tpu.memory_space<vmem>>, vector<16xi32>,
      %get3A_250 = arith.constant 128 : index
      %get3A_251 = tpu.vector_load %arg6[%get3A_250] {strides = array<i32>} : memref<384xf32, #tpu.memory_space<vmem>>, vector<16xf32>,
      tpu.vector_store_idx %arg7[%get3A_249], %get3A_251 {add = true} : memref<32xf32, #tpu.memory_space<vmem>>[vector<16xi32>], vector<16xf32>,
      %get3A_252 = arith.constant 0 : i32
      %get3A_253 = arith.index_cast %get3A_252 : i32 to index
      %get3A_254 = arith.constant 144 : index
      %get3A_255 = tpu.vector_load %arg5[%get3A_253, %get3A_254] {strides = array<i32>} : memref<2x384xi32, #tpu.memory_space<vmem>>, vector<16xi32>,
      %get3A_256 = arith.constant 144 : index
      %get3A_257 = tpu.vector_load %arg6[%get3A_256] {strides = array<i32>} : memref<384xf32, #tpu.memory_space<vmem>>, vector<16xf32>,
      tpu.vector_store_idx %arg7[%get3A_255], %get3A_257 {add = true} : memref<32xf32, #tpu.memory_space<vmem>>[vector<16xi32>], vector<16xf32>,
      %get3A_258 = arith.constant 0 : i32
      %get3A_259 = arith.index_cast %get3A_258 : i32 to index
      %get3A_260 = arith.constant 160 : index
      %get3A_261 = tpu.vector_load %arg5[%get3A_259, %get3A_260] {strides = array<i32>} : memref<2x384xi32, #tpu.memory_space<vmem>>, vector<16xi32>,
      %get3A_262 = arith.constant 160 : index
      %get3A_263 = tpu.vector_load %arg6[%get3A_262] {strides = array<i32>} : memref<384xf32, #tpu.memory_space<vmem>>, vector<16xf32>,
      tpu.vector_store_idx %arg7[%get3A_261], %get3A_263 {add = true} : memref<32xf32, #tpu.memory_space<vmem>>[vector<16xi32>], vector<16xf32>,
      %get3A_264 = arith.constant 0 : i32
      %get3A_265 = arith.index_cast %get3A_264 : i32 to index
      %get3A_266 = arith.constant 176 : index
      %get3A_267 = tpu.vector_load %arg5[%get3A_265, %get3A_266] {strides = array<i32>} : memref<2x384xi32, #tpu.memory_space<vmem>>, vector<16xi32>,
      %get3A_268 = arith.constant 176 : index
      %get3A_269 = tpu.vector_load %arg6[%get3A_268] {strides = array<i32>} : memref<384xf32, #tpu.memory_space<vmem>>, vector<16xf32>,
      tpu.vector_store_idx %arg7[%get3A_267], %get3A_269 {add = true} : memref<32xf32, #tpu.memory_space<vmem>>[vector<16xi32>], vector<16xf32>,
      %get3A_270 = arith.constant 0 : i32
      %get3A_271 = arith.index_cast %get3A_270 : i32 to index
      %get3A_272 = arith.constant 192 : index
      %get3A_273 = tpu.vector_load %arg5[%get3A_271, %get3A_272] {strides = array<i32>} : memref<2x384xi32, #tpu.memory_space<vmem>>, vector<16xi32>,
      %get3A_274 = arith.constant 192 : index
      %get3A_275 = tpu.vector_load %arg6[%get3A_274] {strides = array<i32>} : memref<384xf32, #tpu.memory_space<vmem>>, vector<16xf32>,
      tpu.vector_store_idx %arg7[%get3A_273], %get3A_275 {add = true} : memref<32xf32, #tpu.memory_space<vmem>>[vector<16xi32>], vector<16xf32>,
      %get3A_276 = arith.constant 0 : i32
      %get3A_277 = arith.index_cast %get3A_276 : i32 to index
      %get3A_278 = arith.constant 208 : index
      %get3A_279 = tpu.vector_load %arg5[%get3A_277, %get3A_278] {strides = array<i32>} : memref<2x384xi32, #tpu.memory_space<vmem>>, vector<16xi32>,
      %get3A_280 = arith.constant 208 : index
      %get3A_281 = tpu.vector_load %arg6[%get3A_280] {strides = array<i32>} : memref<384xf32, #tpu.memory_space<vmem>>, vector<16xf32>,
      tpu.vector_store_idx %arg7[%get3A_279], %get3A_281 {add = true} : memref<32xf32, #tpu.memory_space<vmem>>[vector<16xi32>], vector<16xf32>,
      %get3A_282 = arith.constant 0 : i32
      %get3A_283 = arith.index_cast %get3A_282 : i32 to index
      %get3A_284 = arith.constant 224 : index
      %get3A_285 = tpu.vector_load %arg5[%get3A_283, %get3A_284] {strides = array<i32>} : memref<2x384xi32, #tpu.memory_space<vmem>>, vector<16xi32>,
      %get3A_286 = arith.constant 224 : index
      %get3A_287 = tpu.vector_load %arg6[%get3A_286] {strides = array<i32>} : memref<384xf32, #tpu.memory_space<vmem>>, vector<16xf32>,
      tpu.vector_store_idx %arg7[%get3A_285], %get3A_287 {add = true} : memref<32xf32, #tpu.memory_space<vmem>>[vector<16xi32>], vector<16xf32>,
      %get3A_288 = arith.constant 0 : i32
      %get3A_289 = arith.index_cast %get3A_288 : i32 to index
      %get3A_290 = arith.constant 240 : index
      %get3A_291 = tpu.vector_load %arg5[%get3A_289, %get3A_290] {strides = array<i32>} : memref<2x384xi32, #tpu.memory_space<vmem>>, vector<16xi32>,
      %get3A_292 = arith.constant 240 : index
      %get3A_293 = tpu.vector_load %arg6[%get3A_292] {strides = array<i32>} : memref<384xf32, #tpu.memory_space<vmem>>, vector<16xf32>,
      tpu.vector_store_idx %arg7[%get3A_291], %get3A_293 {add = true} : memref<32xf32, #tpu.memory_space<vmem>>[vector<16xi32>], vector<16xf32>,
      %get3A_294 = arith.constant 0 : i32
      %get3A_295 = arith.index_cast %get3A_294 : i32 to index
      %get3A_296 = arith.constant 256 : index
      %get3A_297 = tpu.vector_load %arg5[%get3A_295, %get3A_296] {strides = array<i32>} : memref<2x384xi32, #tpu.memory_space<vmem>>, vector<16xi32>,
      %get3A_298 = arith.constant 256 : index
      %get3A_299 = tpu.vector_load %arg6[%get3A_298] {strides = array<i32>} : memref<384xf32, #tpu.memory_space<vmem>>, vector<16xf32>,
      tpu.vector_store_idx %arg7[%get3A_297], %get3A_299 {add = true} : memref<32xf32, #tpu.memory_space<vmem>>[vector<16xi32>], vector<16xf32>,
      %get3A_300 = arith.constant 0 : i32
      %get3A_301 = arith.index_cast %get3A_300 : i32 to index
      %get3A_302 = arith.constant 272 : index
      %get3A_303 = tpu.vector_load %arg5[%get3A_301, %get3A_302] {strides = array<i32>} : memref<2x384xi32, #tpu.memory_space<vmem>>, vector<16xi32>,
      %get3A_304 = arith.constant 272 : index
      %get3A_305 = tpu.vector_load %arg6[%get3A_304] {strides = array<i32>} : memref<384xf32, #tpu.memory_space<vmem>>, vector<16xf32>,
      tpu.vector_store_idx %arg7[%get3A_303], %get3A_305 {add = true} : memref<32xf32, #tpu.memory_space<vmem>>[vector<16xi32>], vector<16xf32>,
      %get3A_306 = arith.constant 0 : i32
      %get3A_307 = arith.index_cast %get3A_306 : i32 to index
      %get3A_308 = arith.constant 288 : index
      %get3A_309 = tpu.vector_load %arg5[%get3A_307, %get3A_308] {strides = array<i32>} : memref<2x384xi32, #tpu.memory_space<vmem>>, vector<16xi32>,
      %get3A_310 = arith.constant 288 : index
      %get3A_311 = tpu.vector_load %arg6[%get3A_310] {strides = array<i32>} : memref<384xf32, #tpu.memory_space<vmem>>, vector<16xf32>,
      tpu.vector_store_idx %arg7[%get3A_309], %get3A_311 {add = true} : memref<32xf32, #tpu.memory_space<vmem>>[vector<16xi32>], vector<16xf32>,
      %get3A_312 = arith.constant 0 : i32
      %get3A_313 = arith.index_cast %get3A_312 : i32 to index
      %get3A_314 = arith.constant 304 : index
      %get3A_315 = tpu.vector_load %arg5[%get3A_313, %get3A_314] {strides = array<i32>} : memref<2x384xi32, #tpu.memory_space<vmem>>, vector<16xi32>,
      %get3A_316 = arith.constant 304 : index
      %get3A_317 = tpu.vector_load %arg6[%get3A_316] {strides = array<i32>} : memref<384xf32, #tpu.memory_space<vmem>>, vector<16xf32>,
      tpu.vector_store_idx %arg7[%get3A_315], %get3A_317 {add = true} : memref<32xf32, #tpu.memory_space<vmem>>[vector<16xi32>], vector<16xf32>,
      %get3A_318 = arith.constant 0 : i32
      %get3A_319 = arith.index_cast %get3A_318 : i32 to index
      %get3A_320 = arith.constant 320 : index
      %get3A_321 = tpu.vector_load %arg5[%get3A_319, %get3A_320] {strides = array<i32>} : memref<2x384xi32, #tpu.memory_space<vmem>>, vector<16xi32>,
      %get3A_322 = arith.constant 320 : index
      %get3A_323 = tpu.vector_load %arg6[%get3A_322] {strides = array<i32>} : memref<384xf32, #tpu.memory_space<vmem>>, vector<16xf32>,
      tpu.vector_store_idx %arg7[%get3A_321], %get3A_323 {add = true} : memref<32xf32, #tpu.memory_space<vmem>>[vector<16xi32>], vector<16xf32>,
      %get3A_324 = arith.constant 0 : i32
      %get3A_325 = arith.index_cast %get3A_324 : i32 to index
      %get3A_326 = arith.constant 336 : index
      %get3A_327 = tpu.vector_load %arg5[%get3A_325, %get3A_326] {strides = array<i32>} : memref<2x384xi32, #tpu.memory_space<vmem>>, vector<16xi32>,
      %get3A_328 = arith.constant 336 : index
      %get3A_329 = tpu.vector_load %arg6[%get3A_328] {strides = array<i32>} : memref<384xf32, #tpu.memory_space<vmem>>, vector<16xf32>,
      tpu.vector_store_idx %arg7[%get3A_327], %get3A_329 {add = true} : memref<32xf32, #tpu.memory_space<vmem>>[vector<16xi32>], vector<16xf32>,
      %get3A_330 = arith.constant 0 : i32
      %get3A_331 = arith.index_cast %get3A_330 : i32 to index
      %get3A_332 = arith.constant 352 : index
      %get3A_333 = tpu.vector_load %arg5[%get3A_331, %get3A_332] {strides = array<i32>} : memref<2x384xi32, #tpu.memory_space<vmem>>, vector<16xi32>,
      %get3A_334 = arith.constant 352 : index
      %get3A_335 = tpu.vector_load %arg6[%get3A_334] {strides = array<i32>} : memref<384xf32, #tpu.memory_space<vmem>>, vector<16xf32>,
      tpu.vector_store_idx %arg7[%get3A_333], %get3A_335 {add = true} : memref<32xf32, #tpu.memory_space<vmem>>[vector<16xi32>], vector<16xf32>,
      %get3A_336 = arith.constant 0 : i32
      %get3A_337 = arith.index_cast %get3A_336 : i32 to index
      %get3A_338 = arith.constant 368 : index
      %get3A_339 = tpu.vector_load %arg5[%get3A_337, %get3A_338] {strides = array<i32>} : memref<2x384xi32, #tpu.memory_space<vmem>>, vector<16xi32>,
      %get3A_340 = arith.constant 368 : index
      %get3A_341 = tpu.vector_load %arg6[%get3A_340] {strides = array<i32>} : memref<384xf32, #tpu.memory_space<vmem>>, vector<16xf32>,
      tpu.vector_store_idx %arg7[%get3A_339], %get3A_341 {add = true} : memref<32xf32, #tpu.memory_space<vmem>>[vector<16xi32>], vector<16xf32>,
      %get3A_342 = arith.constant 0 : index
      %get3A_343 = tpu.vector_load %arg7[%get3A_342] {strides = array<i32>} : memref<32xf32, #tpu.memory_space<vmem>>, vector<16xf32>,
      %gt3A = arith.constant 0.000000e+00 : f32
      %gt3A_344 = vector.broadcast %gt3A : f32 to vector<16xf32>
      %gt3A_345 = arith.cmpf ogt, %get3A_343, %gt3A_344 : vector<16xf32>
      %bitcast3A = vector.bitcast %get3A_343 : vector<16xf32> to vector<16xi32>
      %shift_right_arithmetic3A = arith.constant 1 : i32
      %shift_right_arithmetic3A_346 = vector.broadcast %shift_right_arithmetic3A : i32 to vector<16xi32>
      %shift_right_arithmetic3A_347 = arith.shrsi %bitcast3A, %shift_right_arithmetic3A_346 : vector<16xi32>
      %sub3A = arith.constant 1597463007 : i32
      %sub3A_348 = vector.broadcast %sub3A : i32 to vector<16xi32>
      %sub3A_349 = arith.subi %sub3A_348, %shift_right_arithmetic3A_347 : vector<16xi32>
      %bitcast3A_350 = vector.bitcast %sub3A_349 : vector<16xi32> to vector<16xf32>
      %mul3A_351 = arith.constant 5.000000e-01 : f32
      %mul3A_352 = vector.broadcast %mul3A_351 : f32 to vector<16xf32>
      %mul3A_353 = arith.mulf %mul3A_352, %get3A_343 : vector<16xf32>
      %mul3A_354 = arith.mulf %mul3A_353, %bitcast3A_350 : vector<16xf32>
      %mul3A_355 = arith.mulf %mul3A_354, %bitcast3A_350 : vector<16xf32>
      %sub3A_356 = arith.constant 1.500000e+00 : f32
      %sub3A_357 = vector.broadcast %sub3A_356 : f32 to vector<16xf32>
      %sub3A_358 = arith.subf %sub3A_357, %mul3A_355 : vector<16xf32>
      %mul3A_359 = arith.mulf %bitcast3A_350, %sub3A_358 : vector<16xf32>
      %mul3A_360 = arith.constant 5.000000e-01 : f32
      %mul3A_361 = vector.broadcast %mul3A_360 : f32 to vector<16xf32>
      %mul3A_362 = arith.mulf %mul3A_361, %get3A_343 : vector<16xf32>
      %mul3A_363 = arith.mulf %mul3A_362, %mul3A_359 : vector<16xf32>
      %mul3A_364 = arith.mulf %mul3A_363, %mul3A_359 : vector<16xf32>
      %sub3A_365 = arith.constant 1.500000e+00 : f32
      %sub3A_366 = vector.broadcast %sub3A_365 : f32 to vector<16xf32>
      %sub3A_367 = arith.subf %sub3A_366, %mul3A_364 : vector<16xf32>
      %mul3A_368 = arith.mulf %mul3A_359, %sub3A_367 : vector<16xf32>
      %mul3A_369 = arith.constant 5.000000e-01 : f32
      %mul3A_370 = vector.broadcast %mul3A_369 : f32 to vector<16xf32>
      %mul3A_371 = arith.mulf %mul3A_370, %get3A_343 : vector<16xf32>
      %mul3A_372 = arith.mulf %mul3A_371, %mul3A_368 : vector<16xf32>
      %mul3A_373 = arith.mulf %mul3A_372, %mul3A_368 : vector<16xf32>
      %sub3A_374 = arith.constant 1.500000e+00 : f32
      %sub3A_375 = vector.broadcast %sub3A_374 : f32 to vector<16xf32>
      %sub3A_376 = arith.subf %sub3A_375, %mul3A_373 : vector<16xf32>
      %mul3A_377 = arith.mulf %mul3A_368, %sub3A_376 : vector<16xf32>
      %jit3A = arith.constant 0.000000e+00 : f32
      %broadcast_in_dim3A_378 = vector.broadcast %jit3A : f32 to vector<16xf32>
      %select_n3A = arith.select %gt3A_345, %mul3A_377, %broadcast_in_dim3A_378 : vector<16xi1>, vector<16xf32>
      %swap3A_379 = arith.constant 0 : index
      %swap3A_380 = tpu.vector_load %arg8[%swap3A_379] {strides = array<i32>} : memref<32xf32, #tpu.memory_space<vmem>>, vector<16xf32>,
      tpu.vector_store %arg8[%swap3A_379], %select_n3A {strides = array<i32>} : memref<32xf32, #tpu.memory_space<vmem>>, vector<16xf32>,
      %get3A_381 = arith.constant 16 : index
      %get3A_382 = tpu.vector_load %arg7[%get3A_381] {strides = array<i32>} : memref<32xf32, #tpu.memory_space<vmem>>, vector<16xf32>,
      %gt3A_383 = arith.constant 0.000000e+00 : f32
      %gt3A_384 = vector.broadcast %gt3A_383 : f32 to vector<16xf32>
      %gt3A_385 = arith.cmpf ogt, %get3A_382, %gt3A_384 : vector<16xf32>
      %bitcast3A_386 = vector.bitcast %get3A_382 : vector<16xf32> to vector<16xi32>
      %shift_right_arithmetic3A_387 = arith.constant 1 : i32
      %shift_right_arithmetic3A_388 = vector.broadcast %shift_right_arithmetic3A_387 : i32 to vector<16xi32>
      %shift_right_arithmetic3A_389 = arith.shrsi %bitcast3A_386, %shift_right_arithmetic3A_388 : vector<16xi32>
      %sub3A_390 = arith.constant 1597463007 : i32
      %sub3A_391 = vector.broadcast %sub3A_390 : i32 to vector<16xi32>
      %sub3A_392 = arith.subi %sub3A_391, %shift_right_arithmetic3A_389 : vector<16xi32>
      %bitcast3A_393 = vector.bitcast %sub3A_392 : vector<16xi32> to vector<16xf32>
      %mul3A_394 = arith.constant 5.000000e-01 : f32
      %mul3A_395 = vector.broadcast %mul3A_394 : f32 to vector<16xf32>
      %mul3A_396 = arith.mulf %mul3A_395, %get3A_382 : vector<16xf32>
      %mul3A_397 = arith.mulf %mul3A_396, %bitcast3A_393 : vector<16xf32>
      %mul3A_398 = arith.mulf %mul3A_397, %bitcast3A_393 : vector<16xf32>
      %sub3A_399 = arith.constant 1.500000e+00 : f32
      %sub3A_400 = vector.broadcast %sub3A_399 : f32 to vector<16xf32>
      %sub3A_401 = arith.subf %sub3A_400, %mul3A_398 : vector<16xf32>
      %mul3A_402 = arith.mulf %bitcast3A_393, %sub3A_401 : vector<16xf32>
      %mul3A_403 = arith.constant 5.000000e-01 : f32
      %mul3A_404 = vector.broadcast %mul3A_403 : f32 to vector<16xf32>
      %mul3A_405 = arith.mulf %mul3A_404, %get3A_382 : vector<16xf32>
      %mul3A_406 = arith.mulf %mul3A_405, %mul3A_402 : vector<16xf32>
      %mul3A_407 = arith.mulf %mul3A_406, %mul3A_402 : vector<16xf32>
      %sub3A_408 = arith.constant 1.500000e+00 : f32
      %sub3A_409 = vector.broadcast %sub3A_408 : f32 to vector<16xf32>
      %sub3A_410 = arith.subf %sub3A_409, %mul3A_407 : vector<16xf32>
      %mul3A_411 = arith.mulf %mul3A_402, %sub3A_410 : vector<16xf32>
      %mul3A_412 = arith.constant 5.000000e-01 : f32
      %mul3A_413 = vector.broadcast %mul3A_412 : f32 to vector<16xf32>
      %mul3A_414 = arith.mulf %mul3A_413, %get3A_382 : vector<16xf32>
      %mul3A_415 = arith.mulf %mul3A_414, %mul3A_411 : vector<16xf32>
      %mul3A_416 = arith.mulf %mul3A_415, %mul3A_411 : vector<16xf32>
      %sub3A_417 = arith.constant 1.500000e+00 : f32
      %sub3A_418 = vector.broadcast %sub3A_417 : f32 to vector<16xf32>
      %sub3A_419 = arith.subf %sub3A_418, %mul3A_416 : vector<16xf32>
      %mul3A_420 = arith.mulf %mul3A_411, %sub3A_419 : vector<16xf32>
      %jit3A_421 = arith.constant 0.000000e+00 : f32
      %broadcast_in_dim3A_422 = vector.broadcast %jit3A_421 : f32 to vector<16xf32>
      %select_n3A_423 = arith.select %gt3A_385, %mul3A_420, %broadcast_in_dim3A_422 : vector<16xi1>, vector<16xf32>
      %swap3A_424 = arith.constant 16 : index
      %swap3A_425 = tpu.vector_load %arg8[%swap3A_424] {strides = array<i32>} : memref<32xf32, #tpu.memory_space<vmem>>, vector<16xf32>,
      tpu.vector_store %arg8[%swap3A_424], %select_n3A_423 {strides = array<i32>} : memref<32xf32, #tpu.memory_space<vmem>>, vector<16xf32>,
      %get3A_426 = arith.constant 0 : i32
      %get3A_427 = arith.index_cast %get3A_426 : i32 to index
      %get3A_428 = arith.constant 0 : index
      %get3A_429 = tpu.vector_load %arg5[%get3A_427, %get3A_428] {strides = array<i32>} : memref<2x384xi32, #tpu.memory_space<vmem>>, vector<16xi32>,
      %get3A_430 = arith.constant 1 : i32
      %get3A_431 = arith.index_cast %get3A_430 : i32 to index
      %get3A_432 = arith.constant 0 : index
      %get3A_433 = tpu.vector_load %arg5[%get3A_431, %get3A_432] {strides = array<i32>} : memref<2x384xi32, #tpu.memory_space<vmem>>, vector<16xi32>,
      %get3A_434 = arith.constant 0 : index
      %get3A_435 = tpu.vector_load %arg6[%get3A_434] {strides = array<i32>} : memref<384xf32, #tpu.memory_space<vmem>>, vector<16xf32>,
      %gather3A = tpu.vector_load_idx %arg8[%get3A_429] : memref<32xf32, #tpu.memory_space<vmem>>[vector<16xi32>], vector<16xf32>,
      %gather3A_436 = tpu.vector_load_idx %arg8[%get3A_433] : memref<32xf32, #tpu.memory_space<vmem>>[vector<16xi32>], vector<16xf32>,
      %mul3A_437 = arith.mulf %gather3A, %get3A_435 : vector<16xf32>
      %mul3A_438 = arith.mulf %mul3A_437, %gather3A_436 : vector<16xf32>
      %neg3A = arith.constant 0.000000e+00 : f32
      %neg3A_439 = vector.broadcast %neg3A : f32 to vector<16xf32>
      %neg3A_440 = arith.subf %neg3A_439, %mul3A_438 : vector<16xf32>
      tpu.vector_store_idx %arg9[%get3A_429, %get3A_433], %neg3A_440 {add = true} : memref<24x32xf32, #tpu.memory_space<vmem>>[vector<16xi32>, vector<16xi32>], vector<16xf32>,
      %get3A_441 = arith.constant 0 : i32
      %get3A_442 = arith.index_cast %get3A_441 : i32 to index
      %get3A_443 = arith.constant 16 : index
      %get3A_444 = tpu.vector_load %arg5[%get3A_442, %get3A_443] {strides = array<i32>} : memref<2x384xi32, #tpu.memory_space<vmem>>, vector<16xi32>,
      %get3A_445 = arith.constant 1 : i32
      %get3A_446 = arith.index_cast %get3A_445 : i32 to index
      %get3A_447 = arith.constant 16 : index
      %get3A_448 = tpu.vector_load %arg5[%get3A_446, %get3A_447] {strides = array<i32>} : memref<2x384xi32, #tpu.memory_space<vmem>>, vector<16xi32>,
      %get3A_449 = arith.constant 16 : index
      %get3A_450 = tpu.vector_load %arg6[%get3A_449] {strides = array<i32>} : memref<384xf32, #tpu.memory_space<vmem>>, vector<16xf32>,
      %gather3A_451 = tpu.vector_load_idx %arg8[%get3A_444] : memref<32xf32, #tpu.memory_space<vmem>>[vector<16xi32>], vector<16xf32>,
      %gather3A_452 = tpu.vector_load_idx %arg8[%get3A_448] : memref<32xf32, #tpu.memory_space<vmem>>[vector<16xi32>], vector<16xf32>,
      %mul3A_453 = arith.mulf %gather3A_451, %get3A_450 : vector<16xf32>
      %mul3A_454 = arith.mulf %mul3A_453, %gather3A_452 : vector<16xf32>
      %neg3A_455 = arith.constant 0.000000e+00 : f32
      %neg3A_456 = vector.broadcast %neg3A_455 : f32 to vector<16xf32>
      %neg3A_457 = arith.subf %neg3A_456, %mul3A_454 : vector<16xf32>
      tpu.vector_store_idx %arg9[%get3A_444, %get3A_448], %neg3A_457 {add = true} : memref<24x32xf32, #tpu.memory_space<vmem>>[vector<16xi32>, vector<16xi32>], vector<16xf32>,
      %get3A_458 = arith.constant 0 : i32
      %get3A_459 = arith.index_cast %get3A_458 : i32 to index
      %get3A_460 = arith.constant 32 : index
      %get3A_461 = tpu.vector_load %arg5[%get3A_459, %get3A_460] {strides = array<i32>} : memref<2x384xi32, #tpu.memory_space<vmem>>, vector<16xi32>,
      %get3A_462 = arith.constant 1 : i32
      %get3A_463 = arith.index_cast %get3A_462 : i32 to index
      %get3A_464 = arith.constant 32 : index
      %get3A_465 = tpu.vector_load %arg5[%get3A_463, %get3A_464] {strides = array<i32>} : memref<2x384xi32, #tpu.memory_space<vmem>>, vector<16xi32>,
      %get3A_466 = arith.constant 32 : index
      %get3A_467 = tpu.vector_load %arg6[%get3A_466] {strides = array<i32>} : memref<384xf32, #tpu.memory_space<vmem>>, vector<16xf32>,
      %gather3A_468 = tpu.vector_load_idx %arg8[%get3A_461] : memref<32xf32, #tpu.memory_space<vmem>>[vector<16xi32>], vector<16xf32>,
      %gather3A_469 = tpu.vector_load_idx %arg8[%get3A_465] : memref<32xf32, #tpu.memory_space<vmem>>[vector<16xi32>], vector<16xf32>,
      %mul3A_470 = arith.mulf %gather3A_468, %get3A_467 : vector<16xf32>
      %mul3A_471 = arith.mulf %mul3A_470, %gather3A_469 : vector<16xf32>
      %neg3A_472 = arith.constant 0.000000e+00 : f32
      %neg3A_473 = vector.broadcast %neg3A_472 : f32 to vector<16xf32>
      %neg3A_474 = arith.subf %neg3A_473, %mul3A_471 : vector<16xf32>
      tpu.vector_store_idx %arg9[%get3A_461, %get3A_465], %neg3A_474 {add = true} : memref<24x32xf32, #tpu.memory_space<vmem>>[vector<16xi32>, vector<16xi32>], vector<16xf32>,
      %get3A_475 = arith.constant 0 : i32
      %get3A_476 = arith.index_cast %get3A_475 : i32 to index
      %get3A_477 = arith.constant 48 : index
      %get3A_478 = tpu.vector_load %arg5[%get3A_476, %get3A_477] {strides = array<i32>} : memref<2x384xi32, #tpu.memory_space<vmem>>, vector<16xi32>,
      %get3A_479 = arith.constant 1 : i32
      %get3A_480 = arith.index_cast %get3A_479 : i32 to index
      %get3A_481 = arith.constant 48 : index
      %get3A_482 = tpu.vector_load %arg5[%get3A_480, %get3A_481] {strides = array<i32>} : memref<2x384xi32, #tpu.memory_space<vmem>>, vector<16xi32>,
      %get3A_483 = arith.constant 48 : index
      %get3A_484 = tpu.vector_load %arg6[%get3A_483] {strides = array<i32>} : memref<384xf32, #tpu.memory_space<vmem>>, vector<16xf32>,
      %gather3A_485 = tpu.vector_load_idx %arg8[%get3A_478] : memref<32xf32, #tpu.memory_space<vmem>>[vector<16xi32>], vector<16xf32>,
      %gather3A_486 = tpu.vector_load_idx %arg8[%get3A_482] : memref<32xf32, #tpu.memory_space<vmem>>[vector<16xi32>], vector<16xf32>,
      %mul3A_487 = arith.mulf %gather3A_485, %get3A_484 : vector<16xf32>
      %mul3A_488 = arith.mulf %mul3A_487, %gather3A_486 : vector<16xf32>
      %neg3A_489 = arith.constant 0.000000e+00 : f32
      %neg3A_490 = vector.broadcast %neg3A_489 : f32 to vector<16xf32>
      %neg3A_491 = arith.subf %neg3A_490, %mul3A_488 : vector<16xf32>
      tpu.vector_store_idx %arg9[%get3A_478, %get3A_482], %neg3A_491 {add = true} : memref<24x32xf32, #tpu.memory_space<vmem>>[vector<16xi32>, vector<16xi32>], vector<16xf32>,
      %get3A_492 = arith.constant 0 : i32
      %get3A_493 = arith.index_cast %get3A_492 : i32 to index
      %get3A_494 = arith.constant 64 : index
      %get3A_495 = tpu.vector_load %arg5[%get3A_493, %get3A_494] {strides = array<i32>} : memref<2x384xi32, #tpu.memory_space<vmem>>, vector<16xi32>,
      %get3A_496 = arith.constant 1 : i32
      %get3A_497 = arith.index_cast %get3A_496 : i32 to index
      %get3A_498 = arith.constant 64 : index
      %get3A_499 = tpu.vector_load %arg5[%get3A_497, %get3A_498] {strides = array<i32>} : memref<2x384xi32, #tpu.memory_space<vmem>>, vector<16xi32>,
      %get3A_500 = arith.constant 64 : index
      %get3A_501 = tpu.vector_load %arg6[%get3A_500] {strides = array<i32>} : memref<384xf32, #tpu.memory_space<vmem>>, vector<16xf32>,
      %gather3A_502 = tpu.vector_load_idx %arg8[%get3A_495] : memref<32xf32, #tpu.memory_space<vmem>>[vector<16xi32>], vector<16xf32>,
      %gather3A_503 = tpu.vector_load_idx %arg8[%get3A_499] : memref<32xf32, #tpu.memory_space<vmem>>[vector<16xi32>], vector<16xf32>,
      %mul3A_504 = arith.mulf %gather3A_502, %get3A_501 : vector<16xf32>
      %mul3A_505 = arith.mulf %mul3A_504, %gather3A_503 : vector<16xf32>
      %neg3A_506 = arith.constant 0.000000e+00 : f32
      %neg3A_507 = vector.broadcast %neg3A_506 : f32 to vector<16xf32>
      %neg3A_508 = arith.subf %neg3A_507, %mul3A_505 : vector<16xf32>
      tpu.vector_store_idx %arg9[%get3A_495, %get3A_499], %neg3A_508 {add = true} : memref<24x32xf32, #tpu.memory_space<vmem>>[vector<16xi32>, vector<16xi32>], vector<16xf32>,
      %get3A_509 = arith.constant 0 : i32
      %get3A_510 = arith.index_cast %get3A_509 : i32 to index
      %get3A_511 = arith.constant 80 : index
      %get3A_512 = tpu.vector_load %arg5[%get3A_510, %get3A_511] {strides = array<i32>} : memref<2x384xi32, #tpu.memory_space<vmem>>, vector<16xi32>,
      %get3A_513 = arith.constant 1 : i32
      %get3A_514 = arith.index_cast %get3A_513 : i32 to index
      %get3A_515 = arith.constant 80 : index
      %get3A_516 = tpu.vector_load %arg5[%get3A_514, %get3A_515] {strides = array<i32>} : memref<2x384xi32, #tpu.memory_space<vmem>>, vector<16xi32>,
      %get3A_517 = arith.constant 80 : index
      %get3A_518 = tpu.vector_load %arg6[%get3A_517] {strides = array<i32>} : memref<384xf32, #tpu.memory_space<vmem>>, vector<16xf32>,
      %gather3A_519 = tpu.vector_load_idx %arg8[%get3A_512] : memref<32xf32, #tpu.memory_space<vmem>>[vector<16xi32>], vector<16xf32>,
      %gather3A_520 = tpu.vector_load_idx %arg8[%get3A_516] : memref<32xf32, #tpu.memory_space<vmem>>[vector<16xi32>], vector<16xf32>,
      %mul3A_521 = arith.mulf %gather3A_519, %get3A_518 : vector<16xf32>
      %mul3A_522 = arith.mulf %mul3A_521, %gather3A_520 : vector<16xf32>
      %neg3A_523 = arith.constant 0.000000e+00 : f32
      %neg3A_524 = vector.broadcast %neg3A_523 : f32 to vector<16xf32>
      %neg3A_525 = arith.subf %neg3A_524, %mul3A_522 : vector<16xf32>
      tpu.vector_store_idx %arg9[%get3A_512, %get3A_516], %neg3A_525 {add = true} : memref<24x32xf32, #tpu.memory_space<vmem>>[vector<16xi32>, vector<16xi32>], vector<16xf32>,
      %get3A_526 = arith.constant 0 : i32
      %get3A_527 = arith.index_cast %get3A_526 : i32 to index
      %get3A_528 = arith.constant 96 : index
      %get3A_529 = tpu.vector_load %arg5[%get3A_527, %get3A_528] {strides = array<i32>} : memref<2x384xi32, #tpu.memory_space<vmem>>, vector<16xi32>,
      %get3A_530 = arith.constant 1 : i32
      %get3A_531 = arith.index_cast %get3A_530 : i32 to index
      %get3A_532 = arith.constant 96 : index
      %get3A_533 = tpu.vector_load %arg5[%get3A_531, %get3A_532] {strides = array<i32>} : memref<2x384xi32, #tpu.memory_space<vmem>>, vector<16xi32>,
      %get3A_534 = arith.constant 96 : index
      %get3A_535 = tpu.vector_load %arg6[%get3A_534] {strides = array<i32>} : memref<384xf32, #tpu.memory_space<vmem>>, vector<16xf32>,
      %gather3A_536 = tpu.vector_load_idx %arg8[%get3A_529] : memref<32xf32, #tpu.memory_space<vmem>>[vector<16xi32>], vector<16xf32>,
      %gather3A_537 = tpu.vector_load_idx %arg8[%get3A_533] : memref<32xf32, #tpu.memory_space<vmem>>[vector<16xi32>], vector<16xf32>,
      %mul3A_538 = arith.mulf %gather3A_536, %get3A_535 : vector<16xf32>
      %mul3A_539 = arith.mulf %mul3A_538, %gather3A_537 : vector<16xf32>
      %neg3A_540 = arith.constant 0.000000e+00 : f32
      %neg3A_541 = vector.broadcast %neg3A_540 : f32 to vector<16xf32>
      %neg3A_542 = arith.subf %neg3A_541, %mul3A_539 : vector<16xf32>
      tpu.vector_store_idx %arg9[%get3A_529, %get3A_533], %neg3A_542 {add = true} : memref<24x32xf32, #tpu.memory_space<vmem>>[vector<16xi32>, vector<16xi32>], vector<16xf32>,
      %get3A_543 = arith.constant 0 : i32
      %get3A_544 = arith.index_cast %get3A_543 : i32 to index
      %get3A_545 = arith.constant 112 : index
      %get3A_546 = tpu.vector_load %arg5[%get3A_544, %get3A_545] {strides = array<i32>} : memref<2x384xi32, #tpu.memory_space<vmem>>, vector<16xi32>,
      %get3A_547 = arith.constant 1 : i32
      %get3A_548 = arith.index_cast %get3A_547 : i32 to index
      %get3A_549 = arith.constant 112 : index
      %get3A_550 = tpu.vector_load %arg5[%get3A_548, %get3A_549] {strides = array<i32>} : memref<2x384xi32, #tpu.memory_space<vmem>>, vector<16xi32>,
      %get3A_551 = arith.constant 112 : index
      %get3A_552 = tpu.vector_load %arg6[%get3A_551] {strides = array<i32>} : memref<384xf32, #tpu.memory_space<vmem>>, vector<16xf32>,
      %gather3A_553 = tpu.vector_load_idx %arg8[%get3A_546] : memref<32xf32, #tpu.memory_space<vmem>>[vector<16xi32>], vector<16xf32>,
      %gather3A_554 = tpu.vector_load_idx %arg8[%get3A_550] : memref<32xf32, #tpu.memory_space<vmem>>[vector<16xi32>], vector<16xf32>,
      %mul3A_555 = arith.mulf %gather3A_553, %get3A_552 : vector<16xf32>
      %mul3A_556 = arith.mulf %mul3A_555, %gather3A_554 : vector<16xf32>
      %neg3A_557 = arith.constant 0.000000e+00 : f32
      %neg3A_558 = vector.broadcast %neg3A_557 : f32 to vector<16xf32>
      %neg3A_559 = arith.subf %neg3A_558, %mul3A_556 : vector<16xf32>
      tpu.vector_store_idx %arg9[%get3A_546, %get3A_550], %neg3A_559 {add = true} : memref<24x32xf32, #tpu.memory_space<vmem>>[vector<16xi32>, vector<16xi32>], vector<16xf32>,
      %get3A_560 = arith.constant 0 : i32
      %get3A_561 = arith.index_cast %get3A_560 : i32 to index
      %get3A_562 = arith.constant 128 : index
      %get3A_563 = tpu.vector_load %arg5[%get3A_561, %get3A_562] {strides = array<i32>} : memref<2x384xi32, #tpu.memory_space<vmem>>, vector<16xi32>,
      %get3A_564 = arith.constant 1 : i32
      %get3A_565 = arith.index_cast %get3A_564 : i32 to index
      %get3A_566 = arith.constant 128 : index
      %get3A_567 = tpu.vector_load %arg5[%get3A_565, %get3A_566] {strides = array<i32>} : memref<2x384xi32, #tpu.memory_space<vmem>>, vector<16xi32>,
      %get3A_568 = arith.constant 128 : index
      %get3A_569 = tpu.vector_load %arg6[%get3A_568] {strides = array<i32>} : memref<384xf32, #tpu.memory_space<vmem>>, vector<16xf32>,
      %gather3A_570 = tpu.vector_load_idx %arg8[%get3A_563] : memref<32xf32, #tpu.memory_space<vmem>>[vector<16xi32>], vector<16xf32>,
      %gather3A_571 = tpu.vector_load_idx %arg8[%get3A_567] : memref<32xf32, #tpu.memory_space<vmem>>[vector<16xi32>], vector<16xf32>,
      %mul3A_572 = arith.mulf %gather3A_570, %get3A_569 : vector<16xf32>
      %mul3A_573 = arith.mulf %mul3A_572, %gather3A_571 : vector<16xf32>
      %neg3A_574 = arith.constant 0.000000e+00 : f32
      %neg3A_575 = vector.broadcast %neg3A_574 : f32 to vector<16xf32>
      %neg3A_576 = arith.subf %neg3A_575, %mul3A_573 : vector<16xf32>
      tpu.vector_store_idx %arg9[%get3A_563, %get3A_567], %neg3A_576 {add = true} : memref<24x32xf32, #tpu.memory_space<vmem>>[vector<16xi32>, vector<16xi32>], vector<16xf32>,
      %get3A_577 = arith.constant 0 : i32
      %get3A_578 = arith.index_cast %get3A_577 : i32 to index
      %get3A_579 = arith.constant 144 : index
      %get3A_580 = tpu.vector_load %arg5[%get3A_578, %get3A_579] {strides = array<i32>} : memref<2x384xi32, #tpu.memory_space<vmem>>, vector<16xi32>,
      %get3A_581 = arith.constant 1 : i32
      %get3A_582 = arith.index_cast %get3A_581 : i32 to index
      %get3A_583 = arith.constant 144 : index
      %get3A_584 = tpu.vector_load %arg5[%get3A_582, %get3A_583] {strides = array<i32>} : memref<2x384xi32, #tpu.memory_space<vmem>>, vector<16xi32>,
      %get3A_585 = arith.constant 144 : index
      %get3A_586 = tpu.vector_load %arg6[%get3A_585] {strides = array<i32>} : memref<384xf32, #tpu.memory_space<vmem>>, vector<16xf32>,
      %gather3A_587 = tpu.vector_load_idx %arg8[%get3A_580] : memref<32xf32, #tpu.memory_space<vmem>>[vector<16xi32>], vector<16xf32>,
      %gather3A_588 = tpu.vector_load_idx %arg8[%get3A_584] : memref<32xf32, #tpu.memory_space<vmem>>[vector<16xi32>], vector<16xf32>,
      %mul3A_589 = arith.mulf %gather3A_587, %get3A_586 : vector<16xf32>
      %mul3A_590 = arith.mulf %mul3A_589, %gather3A_588 : vector<16xf32>
      %neg3A_591 = arith.constant 0.000000e+00 : f32
      %neg3A_592 = vector.broadcast %neg3A_591 : f32 to vector<16xf32>
      %neg3A_593 = arith.subf %neg3A_592, %mul3A_590 : vector<16xf32>
      tpu.vector_store_idx %arg9[%get3A_580, %get3A_584], %neg3A_593 {add = true} : memref<24x32xf32, #tpu.memory_space<vmem>>[vector<16xi32>, vector<16xi32>], vector<16xf32>,
      %get3A_594 = arith.constant 0 : i32
      %get3A_595 = arith.index_cast %get3A_594 : i32 to index
      %get3A_596 = arith.constant 160 : index
      %get3A_597 = tpu.vector_load %arg5[%get3A_595, %get3A_596] {strides = array<i32>} : memref<2x384xi32, #tpu.memory_space<vmem>>, vector<16xi32>,
      %get3A_598 = arith.constant 1 : i32
      %get3A_599 = arith.index_cast %get3A_598 : i32 to index
      %get3A_600 = arith.constant 160 : index
      %get3A_601 = tpu.vector_load %arg5[%get3A_599, %get3A_600] {strides = array<i32>} : memref<2x384xi32, #tpu.memory_space<vmem>>, vector<16xi32>,
      %get3A_602 = arith.constant 160 : index
      %get3A_603 = tpu.vector_load %arg6[%get3A_602] {strides = array<i32>} : memref<384xf32, #tpu.memory_space<vmem>>, vector<16xf32>,
      %gather3A_604 = tpu.vector_load_idx %arg8[%get3A_597] : memref<32xf32, #tpu.memory_space<vmem>>[vector<16xi32>], vector<16xf32>,
      %gather3A_605 = tpu.vector_load_idx %arg8[%get3A_601] : memref<32xf32, #tpu.memory_space<vmem>>[vector<16xi32>], vector<16xf32>,
      %mul3A_606 = arith.mulf %gather3A_604, %get3A_603 : vector<16xf32>
      %mul3A_607 = arith.mulf %mul3A_606, %gather3A_605 : vector<16xf32>
      %neg3A_608 = arith.constant 0.000000e+00 : f32
      %neg3A_609 = vector.broadcast %neg3A_608 : f32 to vector<16xf32>
      %neg3A_610 = arith.subf %neg3A_609, %mul3A_607 : vector<16xf32>
      tpu.vector_store_idx %arg9[%get3A_597, %get3A_601], %neg3A_610 {add = true} : memref<24x32xf32, #tpu.memory_space<vmem>>[vector<16xi32>, vector<16xi32>], vector<16xf32>,
      %get3A_611 = arith.constant 0 : i32
      %get3A_612 = arith.index_cast %get3A_611 : i32 to index
      %get3A_613 = arith.constant 176 : index
      %get3A_614 = tpu.vector_load %arg5[%get3A_612, %get3A_613] {strides = array<i32>} : memref<2x384xi32, #tpu.memory_space<vmem>>, vector<16xi32>,
      %get3A_615 = arith.constant 1 : i32
      %get3A_616 = arith.index_cast %get3A_615 : i32 to index
      %get3A_617 = arith.constant 176 : index
      %get3A_618 = tpu.vector_load %arg5[%get3A_616, %get3A_617] {strides = array<i32>} : memref<2x384xi32, #tpu.memory_space<vmem>>, vector<16xi32>,
      %get3A_619 = arith.constant 176 : index
      %get3A_620 = tpu.vector_load %arg6[%get3A_619] {strides = array<i32>} : memref<384xf32, #tpu.memory_space<vmem>>, vector<16xf32>,
      %gather3A_621 = tpu.vector_load_idx %arg8[%get3A_614] : memref<32xf32, #tpu.memory_space<vmem>>[vector<16xi32>], vector<16xf32>,
      %gather3A_622 = tpu.vector_load_idx %arg8[%get3A_618] : memref<32xf32, #tpu.memory_space<vmem>>[vector<16xi32>], vector<16xf32>,
      %mul3A_623 = arith.mulf %gather3A_621, %get3A_620 : vector<16xf32>
      %mul3A_624 = arith.mulf %mul3A_623, %gather3A_622 : vector<16xf32>
      %neg3A_625 = arith.constant 0.000000e+00 : f32
      %neg3A_626 = vector.broadcast %neg3A_625 : f32 to vector<16xf32>
      %neg3A_627 = arith.subf %neg3A_626, %mul3A_624 : vector<16xf32>
      tpu.vector_store_idx %arg9[%get3A_614, %get3A_618], %neg3A_627 {add = true} : memref<24x32xf32, #tpu.memory_space<vmem>>[vector<16xi32>, vector<16xi32>], vector<16xf32>,
      %get3A_628 = arith.constant 0 : i32
      %get3A_629 = arith.index_cast %get3A_628 : i32 to index
      %get3A_630 = arith.constant 192 : index
      %get3A_631 = tpu.vector_load %arg5[%get3A_629, %get3A_630] {strides = array<i32>} : memref<2x384xi32, #tpu.memory_space<vmem>>, vector<16xi32>,
      %get3A_632 = arith.constant 1 : i32
      %get3A_633 = arith.index_cast %get3A_632 : i32 to index
      %get3A_634 = arith.constant 192 : index
      %get3A_635 = tpu.vector_load %arg5[%get3A_633, %get3A_634] {strides = array<i32>} : memref<2x384xi32, #tpu.memory_space<vmem>>, vector<16xi32>,
      %get3A_636 = arith.constant 192 : index
      %get3A_637 = tpu.vector_load %arg6[%get3A_636] {strides = array<i32>} : memref<384xf32, #tpu.memory_space<vmem>>, vector<16xf32>,
      %gather3A_638 = tpu.vector_load_idx %arg8[%get3A_631] : memref<32xf32, #tpu.memory_space<vmem>>[vector<16xi32>], vector<16xf32>,
      %gather3A_639 = tpu.vector_load_idx %arg8[%get3A_635] : memref<32xf32, #tpu.memory_space<vmem>>[vector<16xi32>], vector<16xf32>,
      %mul3A_640 = arith.mulf %gather3A_638, %get3A_637 : vector<16xf32>
      %mul3A_641 = arith.mulf %mul3A_640, %gather3A_639 : vector<16xf32>
      %neg3A_642 = arith.constant 0.000000e+00 : f32
      %neg3A_643 = vector.broadcast %neg3A_642 : f32 to vector<16xf32>
      %neg3A_644 = arith.subf %neg3A_643, %mul3A_641 : vector<16xf32>
      tpu.vector_store_idx %arg9[%get3A_631, %get3A_635], %neg3A_644 {add = true} : memref<24x32xf32, #tpu.memory_space<vmem>>[vector<16xi32>, vector<16xi32>], vector<16xf32>,
      %get3A_645 = arith.constant 0 : i32
      %get3A_646 = arith.index_cast %get3A_645 : i32 to index
      %get3A_647 = arith.constant 208 : index
      %get3A_648 = tpu.vector_load %arg5[%get3A_646, %get3A_647] {strides = array<i32>} : memref<2x384xi32, #tpu.memory_space<vmem>>, vector<16xi32>,
      %get3A_649 = arith.constant 1 : i32
      %get3A_650 = arith.index_cast %get3A_649 : i32 to index
      %get3A_651 = arith.constant 208 : index
      %get3A_652 = tpu.vector_load %arg5[%get3A_650, %get3A_651] {strides = array<i32>} : memref<2x384xi32, #tpu.memory_space<vmem>>, vector<16xi32>,
      %get3A_653 = arith.constant 208 : index
      %get3A_654 = tpu.vector_load %arg6[%get3A_653] {strides = array<i32>} : memref<384xf32, #tpu.memory_space<vmem>>, vector<16xf32>,
      %gather3A_655 = tpu.vector_load_idx %arg8[%get3A_648] : memref<32xf32, #tpu.memory_space<vmem>>[vector<16xi32>], vector<16xf32>,
      %gather3A_656 = tpu.vector_load_idx %arg8[%get3A_652] : memref<32xf32, #tpu.memory_space<vmem>>[vector<16xi32>], vector<16xf32>,
      %mul3A_657 = arith.mulf %gather3A_655, %get3A_654 : vector<16xf32>
      %mul3A_658 = arith.mulf %mul3A_657, %gather3A_656 : vector<16xf32>
      %neg3A_659 = arith.constant 0.000000e+00 : f32
      %neg3A_660 = vector.broadcast %neg3A_659 : f32 to vector<16xf32>
      %neg3A_661 = arith.subf %neg3A_660, %mul3A_658 : vector<16xf32>
      tpu.vector_store_idx %arg9[%get3A_648, %get3A_652], %neg3A_661 {add = true} : memref<24x32xf32, #tpu.memory_space<vmem>>[vector<16xi32>, vector<16xi32>], vector<16xf32>,
      %get3A_662 = arith.constant 0 : i32
      %get3A_663 = arith.index_cast %get3A_662 : i32 to index
      %get3A_664 = arith.constant 224 : index
      %get3A_665 = tpu.vector_load %arg5[%get3A_663, %get3A_664] {strides = array<i32>} : memref<2x384xi32, #tpu.memory_space<vmem>>, vector<16xi32>,
      %get3A_666 = arith.constant 1 : i32
      %get3A_667 = arith.index_cast %get3A_666 : i32 to index
      %get3A_668 = arith.constant 224 : index
      %get3A_669 = tpu.vector_load %arg5[%get3A_667, %get3A_668] {strides = array<i32>} : memref<2x384xi32, #tpu.memory_space<vmem>>, vector<16xi32>,
      %get3A_670 = arith.constant 224 : index
      %get3A_671 = tpu.vector_load %arg6[%get3A_670] {strides = array<i32>} : memref<384xf32, #tpu.memory_space<vmem>>, vector<16xf32>,
      %gather3A_672 = tpu.vector_load_idx %arg8[%get3A_665] : memref<32xf32, #tpu.memory_space<vmem>>[vector<16xi32>], vector<16xf32>,
      %gather3A_673 = tpu.vector_load_idx %arg8[%get3A_669] : memref<32xf32, #tpu.memory_space<vmem>>[vector<16xi32>], vector<16xf32>,
      %mul3A_674 = arith.mulf %gather3A_672, %get3A_671 : vector<16xf32>
      %mul3A_675 = arith.mulf %mul3A_674, %gather3A_673 : vector<16xf32>
      %neg3A_676 = arith.constant 0.000000e+00 : f32
      %neg3A_677 = vector.broadcast %neg3A_676 : f32 to vector<16xf32>
      %neg3A_678 = arith.subf %neg3A_677, %mul3A_675 : vector<16xf32>
      tpu.vector_store_idx %arg9[%get3A_665, %get3A_669], %neg3A_678 {add = true} : memref<24x32xf32, #tpu.memory_space<vmem>>[vector<16xi32>, vector<16xi32>], vector<16xf32>,
      %get3A_679 = arith.constant 0 : i32
      %get3A_680 = arith.index_cast %get3A_679 : i32 to index
      %get3A_681 = arith.constant 240 : index
      %get3A_682 = tpu.vector_load %arg5[%get3A_680, %get3A_681] {strides = array<i32>} : memref<2x384xi32, #tpu.memory_space<vmem>>, vector<16xi32>,
      %get3A_683 = arith.constant 1 : i32
      %get3A_684 = arith.index_cast %get3A_683 : i32 to index
      %get3A_685 = arith.constant 240 : index
      %get3A_686 = tpu.vector_load %arg5[%get3A_684, %get3A_685] {strides = array<i32>} : memref<2x384xi32, #tpu.memory_space<vmem>>, vector<16xi32>,
      %get3A_687 = arith.constant 240 : index
      %get3A_688 = tpu.vector_load %arg6[%get3A_687] {strides = array<i32>} : memref<384xf32, #tpu.memory_space<vmem>>, vector<16xf32>,
      %gather3A_689 = tpu.vector_load_idx %arg8[%get3A_682] : memref<32xf32, #tpu.memory_space<vmem>>[vector<16xi32>], vector<16xf32>,
      %gather3A_690 = tpu.vector_load_idx %arg8[%get3A_686] : memref<32xf32, #tpu.memory_space<vmem>>[vector<16xi32>], vector<16xf32>,
      %mul3A_691 = arith.mulf %gather3A_689, %get3A_688 : vector<16xf32>
      %mul3A_692 = arith.mulf %mul3A_691, %gather3A_690 : vector<16xf32>
      %neg3A_693 = arith.constant 0.000000e+00 : f32
      %neg3A_694 = vector.broadcast %neg3A_693 : f32 to vector<16xf32>
      %neg3A_695 = arith.subf %neg3A_694, %mul3A_692 : vector<16xf32>
      tpu.vector_store_idx %arg9[%get3A_682, %get3A_686], %neg3A_695 {add = true} : memref<24x32xf32, #tpu.memory_space<vmem>>[vector<16xi32>, vector<16xi32>], vector<16xf32>,
      %get3A_696 = arith.constant 0 : i32
      %get3A_697 = arith.index_cast %get3A_696 : i32 to index
      %get3A_698 = arith.constant 256 : index
      %get3A_699 = tpu.vector_load %arg5[%get3A_697, %get3A_698] {strides = array<i32>} : memref<2x384xi32, #tpu.memory_space<vmem>>, vector<16xi32>,
      %get3A_700 = arith.constant 1 : i32
      %get3A_701 = arith.index_cast %get3A_700 : i32 to index
      %get3A_702 = arith.constant 256 : index
      %get3A_703 = tpu.vector_load %arg5[%get3A_701, %get3A_702] {strides = array<i32>} : memref<2x384xi32, #tpu.memory_space<vmem>>, vector<16xi32>,
      %get3A_704 = arith.constant 256 : index
      %get3A_705 = tpu.vector_load %arg6[%get3A_704] {strides = array<i32>} : memref<384xf32, #tpu.memory_space<vmem>>, vector<16xf32>,
      %gather3A_706 = tpu.vector_load_idx %arg8[%get3A_699] : memref<32xf32, #tpu.memory_space<vmem>>[vector<16xi32>], vector<16xf32>,
      %gather3A_707 = tpu.vector_load_idx %arg8[%get3A_703] : memref<32xf32, #tpu.memory_space<vmem>>[vector<16xi32>], vector<16xf32>,
      %mul3A_708 = arith.mulf %gather3A_706, %get3A_705 : vector<16xf32>
      %mul3A_709 = arith.mulf %mul3A_708, %gather3A_707 : vector<16xf32>
      %neg3A_710 = arith.constant 0.000000e+00 : f32
      %neg3A_711 = vector.broadcast %neg3A_710 : f32 to vector<16xf32>
      %neg3A_712 = arith.subf %neg3A_711, %mul3A_709 : vector<16xf32>
      tpu.vector_store_idx %arg9[%get3A_699, %get3A_703], %neg3A_712 {add = true} : memref<24x32xf32, #tpu.memory_space<vmem>>[vector<16xi32>, vector<16xi32>], vector<16xf32>,
      %get3A_713 = arith.constant 0 : i32
      %get3A_714 = arith.index_cast %get3A_713 : i32 to index
      %get3A_715 = arith.constant 272 : index
      %get3A_716 = tpu.vector_load %arg5[%get3A_714, %get3A_715] {strides = array<i32>} : memref<2x384xi32, #tpu.memory_space<vmem>>, vector<16xi32>,
      %get3A_717 = arith.constant 1 : i32
      %get3A_718 = arith.index_cast %get3A_717 : i32 to index
      %get3A_719 = arith.constant 272 : index
      %get3A_720 = tpu.vector_load %arg5[%get3A_718, %get3A_719] {strides = array<i32>} : memref<2x384xi32, #tpu.memory_space<vmem>>, vector<16xi32>,
      %get3A_721 = arith.constant 272 : index
      %get3A_722 = tpu.vector_load %arg6[%get3A_721] {strides = array<i32>} : memref<384xf32, #tpu.memory_space<vmem>>, vector<16xf32>,
      %gather3A_723 = tpu.vector_load_idx %arg8[%get3A_716] : memref<32xf32, #tpu.memory_space<vmem>>[vector<16xi32>], vector<16xf32>,
      %gather3A_724 = tpu.vector_load_idx %arg8[%get3A_720] : memref<32xf32, #tpu.memory_space<vmem>>[vector<16xi32>], vector<16xf32>,
      %mul3A_725 = arith.mulf %gather3A_723, %get3A_722 : vector<16xf32>
      %mul3A_726 = arith.mulf %mul3A_725, %gather3A_724 : vector<16xf32>
      %neg3A_727 = arith.constant 0.000000e+00 : f32
      %neg3A_728 = vector.broadcast %neg3A_727 : f32 to vector<16xf32>
      %neg3A_729 = arith.subf %neg3A_728, %mul3A_726 : vector<16xf32>
      tpu.vector_store_idx %arg9[%get3A_716, %get3A_720], %neg3A_729 {add = true} : memref<24x32xf32, #tpu.memory_space<vmem>>[vector<16xi32>, vector<16xi32>], vector<16xf32>,
      %get3A_730 = arith.constant 0 : i32
      %get3A_731 = arith.index_cast %get3A_730 : i32 to index
      %get3A_732 = arith.constant 288 : index
      %get3A_733 = tpu.vector_load %arg5[%get3A_731, %get3A_732] {strides = array<i32>} : memref<2x384xi32, #tpu.memory_space<vmem>>, vector<16xi32>,
      %get3A_734 = arith.constant 1 : i32
      %get3A_735 = arith.index_cast %get3A_734 : i32 to index
      %get3A_736 = arith.constant 288 : index
      %get3A_737 = tpu.vector_load %arg5[%get3A_735, %get3A_736] {strides = array<i32>} : memref<2x384xi32, #tpu.memory_space<vmem>>, vector<16xi32>,
      %get3A_738 = arith.constant 288 : index
      %get3A_739 = tpu.vector_load %arg6[%get3A_738] {strides = array<i32>} : memref<384xf32, #tpu.memory_space<vmem>>, vector<16xf32>,
      %gather3A_740 = tpu.vector_load_idx %arg8[%get3A_733] : memref<32xf32, #tpu.memory_space<vmem>>[vector<16xi32>], vector<16xf32>,
      %gather3A_741 = tpu.vector_load_idx %arg8[%get3A_737] : memref<32xf32, #tpu.memory_space<vmem>>[vector<16xi32>], vector<16xf32>,
      %mul3A_742 = arith.mulf %gather3A_740, %get3A_739 : vector<16xf32>
      %mul3A_743 = arith.mulf %mul3A_742, %gather3A_741 : vector<16xf32>
      %neg3A_744 = arith.constant 0.000000e+00 : f32
      %neg3A_745 = vector.broadcast %neg3A_744 : f32 to vector<16xf32>
      %neg3A_746 = arith.subf %neg3A_745, %mul3A_743 : vector<16xf32>
      tpu.vector_store_idx %arg9[%get3A_733, %get3A_737], %neg3A_746 {add = true} : memref<24x32xf32, #tpu.memory_space<vmem>>[vector<16xi32>, vector<16xi32>], vector<16xf32>,
      %get3A_747 = arith.constant 0 : i32
      %get3A_748 = arith.index_cast %get3A_747 : i32 to index
      %get3A_749 = arith.constant 304 : index
      %get3A_750 = tpu.vector_load %arg5[%get3A_748, %get3A_749] {strides = array<i32>} : memref<2x384xi32, #tpu.memory_space<vmem>>, vector<16xi32>,
      %get3A_751 = arith.constant 1 : i32
      %get3A_752 = arith.index_cast %get3A_751 : i32 to index
      %get3A_753 = arith.constant 304 : index
      %get3A_754 = tpu.vector_load %arg5[%get3A_752, %get3A_753] {strides = array<i32>} : memref<2x384xi32, #tpu.memory_space<vmem>>, vector<16xi32>,
      %get3A_755 = arith.constant 304 : index
      %get3A_756 = tpu.vector_load %arg6[%get3A_755] {strides = array<i32>} : memref<384xf32, #tpu.memory_space<vmem>>, vector<16xf32>,
      %gather3A_757 = tpu.vector_load_idx %arg8[%get3A_750] : memref<32xf32, #tpu.memory_space<vmem>>[vector<16xi32>], vector<16xf32>,
      %gather3A_758 = tpu.vector_load_idx %arg8[%get3A_754] : memref<32xf32, #tpu.memory_space<vmem>>[vector<16xi32>], vector<16xf32>,
      %mul3A_759 = arith.mulf %gather3A_757, %get3A_756 : vector<16xf32>
      %mul3A_760 = arith.mulf %mul3A_759, %gather3A_758 : vector<16xf32>
      %neg3A_761 = arith.constant 0.000000e+00 : f32
      %neg3A_762 = vector.broadcast %neg3A_761 : f32 to vector<16xf32>
      %neg3A_763 = arith.subf %neg3A_762, %mul3A_760 : vector<16xf32>
      tpu.vector_store_idx %arg9[%get3A_750, %get3A_754], %neg3A_763 {add = true} : memref<24x32xf32, #tpu.memory_space<vmem>>[vector<16xi32>, vector<16xi32>], vector<16xf32>,
      %get3A_764 = arith.constant 0 : i32
      %get3A_765 = arith.index_cast %get3A_764 : i32 to index
      %get3A_766 = arith.constant 320 : index
      %get3A_767 = tpu.vector_load %arg5[%get3A_765, %get3A_766] {strides = array<i32>} : memref<2x384xi32, #tpu.memory_space<vmem>>, vector<16xi32>,
      %get3A_768 = arith.constant 1 : i32
      %get3A_769 = arith.index_cast %get3A_768 : i32 to index
      %get3A_770 = arith.constant 320 : index
      %get3A_771 = tpu.vector_load %arg5[%get3A_769, %get3A_770] {strides = array<i32>} : memref<2x384xi32, #tpu.memory_space<vmem>>, vector<16xi32>,
      %get3A_772 = arith.constant 320 : index
      %get3A_773 = tpu.vector_load %arg6[%get3A_772] {strides = array<i32>} : memref<384xf32, #tpu.memory_space<vmem>>, vector<16xf32>,
      %gather3A_774 = tpu.vector_load_idx %arg8[%get3A_767] : memref<32xf32, #tpu.memory_space<vmem>>[vector<16xi32>], vector<16xf32>,
      %gather3A_775 = tpu.vector_load_idx %arg8[%get3A_771] : memref<32xf32, #tpu.memory_space<vmem>>[vector<16xi32>], vector<16xf32>,
      %mul3A_776 = arith.mulf %gather3A_774, %get3A_773 : vector<16xf32>
      %mul3A_777 = arith.mulf %mul3A_776, %gather3A_775 : vector<16xf32>
      %neg3A_778 = arith.constant 0.000000e+00 : f32
      %neg3A_779 = vector.broadcast %neg3A_778 : f32 to vector<16xf32>
      %neg3A_780 = arith.subf %neg3A_779, %mul3A_777 : vector<16xf32>
      tpu.vector_store_idx %arg9[%get3A_767, %get3A_771], %neg3A_780 {add = true} : memref<24x32xf32, #tpu.memory_space<vmem>>[vector<16xi32>, vector<16xi32>], vector<16xf32>,
      %get3A_781 = arith.constant 0 : i32
      %get3A_782 = arith.index_cast %get3A_781 : i32 to index
      %get3A_783 = arith.constant 336 : index
      %get3A_784 = tpu.vector_load %arg5[%get3A_782, %get3A_783] {strides = array<i32>} : memref<2x384xi32, #tpu.memory_space<vmem>>, vector<16xi32>,
      %get3A_785 = arith.constant 1 : i32
      %get3A_786 = arith.index_cast %get3A_785 : i32 to index
      %get3A_787 = arith.constant 336 : index
      %get3A_788 = tpu.vector_load %arg5[%get3A_786, %get3A_787] {strides = array<i32>} : memref<2x384xi32, #tpu.memory_space<vmem>>, vector<16xi32>,
      %get3A_789 = arith.constant 336 : index
      %get3A_790 = tpu.vector_load %arg6[%get3A_789] {strides = array<i32>} : memref<384xf32, #tpu.memory_space<vmem>>, vector<16xf32>,
      %gather3A_791 = tpu.vector_load_idx %arg8[%get3A_784] : memref<32xf32, #tpu.memory_space<vmem>>[vector<16xi32>], vector<16xf32>,
      %gather3A_792 = tpu.vector_load_idx %arg8[%get3A_788] : memref<32xf32, #tpu.memory_space<vmem>>[vector<16xi32>], vector<16xf32>,
      %mul3A_793 = arith.mulf %gather3A_791, %get3A_790 : vector<16xf32>
      %mul3A_794 = arith.mulf %mul3A_793, %gather3A_792 : vector<16xf32>
      %neg3A_795 = arith.constant 0.000000e+00 : f32
      %neg3A_796 = vector.broadcast %neg3A_795 : f32 to vector<16xf32>
      %neg3A_797 = arith.subf %neg3A_796, %mul3A_794 : vector<16xf32>
      tpu.vector_store_idx %arg9[%get3A_784, %get3A_788], %neg3A_797 {add = true} : memref<24x32xf32, #tpu.memory_space<vmem>>[vector<16xi32>, vector<16xi32>], vector<16xf32>,
      %get3A_798 = arith.constant 0 : i32
      %get3A_799 = arith.index_cast %get3A_798 : i32 to index
      %get3A_800 = arith.constant 352 : index
      %get3A_801 = tpu.vector_load %arg5[%get3A_799, %get3A_800] {strides = array<i32>} : memref<2x384xi32, #tpu.memory_space<vmem>>, vector<16xi32>,
      %get3A_802 = arith.constant 1 : i32
      %get3A_803 = arith.index_cast %get3A_802 : i32 to index
      %get3A_804 = arith.constant 352 : index
      %get3A_805 = tpu.vector_load %arg5[%get3A_803, %get3A_804] {strides = array<i32>} : memref<2x384xi32, #tpu.memory_space<vmem>>, vector<16xi32>,
      %get3A_806 = arith.constant 352 : index
      %get3A_807 = tpu.vector_load %arg6[%get3A_806] {strides = array<i32>} : memref<384xf32, #tpu.memory_space<vmem>>, vector<16xf32>,
      %gather3A_808 = tpu.vector_load_idx %arg8[%get3A_801] : memref<32xf32, #tpu.memory_space<vmem>>[vector<16xi32>], vector<16xf32>,
      %gather3A_809 = tpu.vector_load_idx %arg8[%get3A_805] : memref<32xf32, #tpu.memory_space<vmem>>[vector<16xi32>], vector<16xf32>,
      %mul3A_810 = arith.mulf %gather3A_808, %get3A_807 : vector<16xf32>
      %mul3A_811 = arith.mulf %mul3A_810, %gather3A_809 : vector<16xf32>
      %neg3A_812 = arith.constant 0.000000e+00 : f32
      %neg3A_813 = vector.broadcast %neg3A_812 : f32 to vector<16xf32>
      %neg3A_814 = arith.subf %neg3A_813, %mul3A_811 : vector<16xf32>
      tpu.vector_store_idx %arg9[%get3A_801, %get3A_805], %neg3A_814 {add = true} : memref<24x32xf32, #tpu.memory_space<vmem>>[vector<16xi32>, vector<16xi32>], vector<16xf32>,
      %get3A_815 = arith.constant 0 : i32
      %get3A_816 = arith.index_cast %get3A_815 : i32 to index
      %get3A_817 = arith.constant 368 : index
      %get3A_818 = tpu.vector_load %arg5[%get3A_816, %get3A_817] {strides = array<i32>} : memref<2x384xi32, #tpu.memory_space<vmem>>, vector<16xi32>,
      %get3A_819 = arith.constant 1 : i32
      %get3A_820 = arith.index_cast %get3A_819 : i32 to index
      %get3A_821 = arith.constant 368 : index
      %get3A_822 = tpu.vector_load %arg5[%get3A_820, %get3A_821] {strides = array<i32>} : memref<2x384xi32, #tpu.memory_space<vmem>>, vector<16xi32>,
      %get3A_823 = arith.constant 368 : index
      %get3A_824 = tpu.vector_load %arg6[%get3A_823] {strides = array<i32>} : memref<384xf32, #tpu.memory_space<vmem>>, vector<16xf32>,
      %gather3A_825 = tpu.vector_load_idx %arg8[%get3A_818] : memref<32xf32, #tpu.memory_space<vmem>>[vector<16xi32>], vector<16xf32>,
      %gather3A_826 = tpu.vector_load_idx %arg8[%get3A_822] : memref<32xf32, #tpu.memory_space<vmem>>[vector<16xi32>], vector<16xf32>,
      %mul3A_827 = arith.mulf %gather3A_825, %get3A_824 : vector<16xf32>
      %mul3A_828 = arith.mulf %mul3A_827, %gather3A_826 : vector<16xf32>
      %neg3A_829 = arith.constant 0.000000e+00 : f32
      %neg3A_830 = vector.broadcast %neg3A_829 : f32 to vector<16xf32>
      %neg3A_831 = arith.subf %neg3A_830, %mul3A_828 : vector<16xf32>
      tpu.vector_store_idx %arg9[%get3A_818, %get3A_822], %neg3A_831 {add = true} : memref<24x32xf32, #tpu.memory_space<vmem>>[vector<16xi32>, vector<16xi32>], vector<16xf32>,
      "tpu.region"() ({
        %run_scoped3A = tpu.sem_alloc : memref<!tpu.dma_semaphore, #tpu.memory_space<semaphore_mem>>
        tpu.enqueue_dma source(%arg9 : memref<24x32xf32, #tpu.memory_space<vmem>>) target(%arg4 : memref<24x32xf32, #tpu.memory_space<hbm>>) target_semaphore(%run_scoped3A : memref<!tpu.dma_semaphore, #tpu.memory_space<semaphore_mem>>)
        tpu.wait_dma2 semaphore(%run_scoped3A : memref<!tpu.dma_semaphore, #tpu.memory_space<semaphore_mem>>) src(%arg9 : memref<24x32xf32, #tpu.memory_space<vmem>>) dst(%arg4 : memref<24x32xf32, #tpu.memory_space<hbm>>)
        tpu.yield
      }) : () -> ()
    } else {
    }
    return
  }
}

</mosaic_0001>

<sc_bundles>
// kernel: _sc_adj.3.cloned.1.call-start
scs
__scs_entry_jumppad:
0x0: {  	(pc) =	sbr.rel $0x88, $3  }
0x1: {  	(tag) =	ssettag $0x0;
	lr =	simm.s32 $0x1  }
0x2: {  	[smem:$0x3F9F] =	sst lr;
	_ =	strace $0xD0000000  }
0x3: {  	_ = 	snop  }
0x4: {  	_ = 	snop  }
0x5: {  	_ = 	snop  }
0x6: {  	_ = 	snop  }
0x7: {  	_ = 	snop  }
__scs_overlays_trampoline_lowered:
0x8: {  	[smem:$0x3FAE] =	sst s0  }
0x9: {  	[smem:$0x3FAF] =	sst s1  }
0xa: {  	[smem:$0x3FB0] =	sst s2  }
0xb: {  	[smem:$0x3FB1] =	sst s3  }
0xc: {  	[smem:$0x3FB2] =	sst s4  }
0xd: {  	[smem:$0x3FB3] =	sst s5  }
0xe: {  	[smem:$0x3FB4] =	sst s6  }
0xf: {  	[smem:$0x3FB5] =	sst s7  }
0x10: {  	[smem:$0x3FB6] =	sst s8  }
0x11: {  	[smem:$0x3FB7] =	sst s9;
	s0 =	simm.s32 @!p0 $0x0  }
0x12: {  	s1 =	sld [smem:$0x3F9D];
	s0 =	simm.s32 @p0 $0x1  }
0x13: {  	[smem:$0x3FB8] =	sst s0;
	s0 =	simm.s32 @!p1 $0x0  }
0x14: {  	s2 =	sld [smem:$0x3F9C];
	s0 =	simm.s32 @p1 $0x1  }
0x15: {  	[smem:$0x3FB9] =	sst s0;
	s0 =	simm.s32 @!p2 $0x0  }
0x16: {  	s3 =	sld [smem:$0x3FDB];
	s0 =	simm.s32 @p2 $0x1  }
0x17: {  	s4 =	simm.s32 $0x1BF5;
	[smem:$0x3FBB] =	sst s0  }
0x18: {  	s0 =	sld [smem:$0x3F9E];
	_ =	swait.ge [sflag:s4], $0x0  }
0x19: {  	s7 =	sld [smem:$0x3F9F]  }
0x1a: {  	s8 =	sadd.s32 $0xFFFFE003, lr  }
0x1b: {  	s9 =	sadd.s32 $0xFFFFFEF7, lr;
	s5 =	simm.s32 $0xFFFFFFFF;
	p2 =	slt.u32 s8, $0xFFFFF086  }
0x1c: {  	p1 =	slt.u32 s9, $0xF7A;
	s5 =	simm.s32 @!p2 $0x0  }
0x1d: {  	s5 =	simm.s32 @p1 $0x1;
	p0 =	seq.s32 s7, s2  }
0x1e: {  	s7 =	smul.u32 @!p0 $0xF7A, s2;
	p2 =	seq.s32 @!p0 s5, $0x0  }
0x1f: {  	s9 =	smul.u32 $0xF7A, s1;
	s8 =	simm.s32 @!p0 $0x1BF5;
	p2 =	por !p2, p0  }
0x20: {  	[sflag:s8] =	ssyncset.s32 @!p0 $0xFFFFF086;
	s6 =	sadd.s32 @!p0 s3, s7;
	s7 =	simm.s32 @!p0 $0x108  }
0x21: {  	s3 =	sadd.s32 s3, s9;
	s6 =	sadd.s32 @!p0 $0x88, s6;
	s7 =	simm.s32 @p2 $0x1082  }
0x22: {  	[simem:s7], [sflag:s8] =	dma.local @!p0 [hbm:s6], $0xF7A  }
0x23: {  	s9 =	sor.u32 $0xD0000000, s2;
	s6 =	simm.s32 $0x108;
	_ =	swait.ge @!p0 [sflag:s8], $0x0  }
0x24: {  	s3 =	sadd.s32 $0x88, s3;
	s6 =	simm.s32 @!p1 $0x1082;
	[sflag:s4] =	ssyncset.s32 $0xFFFFF086  }
0x25: {  	[simem:s6], [sflag:s4] =	dma.local [hbm:s3], $0xF7A  }
0x26: {  	[smem:$0x3F9F] =	sst s1;
	(tag) =	ssettag s2;
	_ =	strace s9  }
0x27: {  	s1 =	sld [smem:$0x3FAF]  }
0x28: {  	s2 =	sld [smem:$0x3FB0]  }
0x29: {  	s4 =	sld [smem:$0x3FB2]  }
0x2a: {  	p0 =	seq.s32 s5, $0x0;
	s5 =	sld [smem:$0x3FB3]  }
0x2b: {  	s6 =	sld [smem:$0x3FB4]  }
0x2c: {  	s7 =	sld [smem:$0x3FB5]  }
0x2d: {  	s3 =	simm.s32 $0x108;
	s8 =	sld [smem:$0x3FB6]  }
0x2e: {  	s3 =	simm.s32 @!p0 $0x1082;
	s9 =	sld [smem:$0x3FB7]  }
0x2f: {  	lr =	sadd.s32 s0, s3;
	s0 =	sld [smem:$0x3FAE]  }
0x30: {  	s3 =	sld [smem:$0x3FB1]  }
0x31: {  	[smem:$0x3FBA] =	sst s10  }
0x32: {  	s10 =	sld [smem:$0x3FB8];
	_ =	sdelay $0x3  }
0x33: {  	p0 =	seq.s32 s10, $0x1;
	s10 =	sld [smem:$0x3FBA];
	_ =	sdelay $0x3  }
0x34: {  	[smem:$0x3FBA] =	sst s10  }
0x35: {  	s10 =	sld [smem:$0x3FB9];
	_ =	sdelay $0x3  }
0x36: {  	p1 =	seq.s32 s10, $0x1;
	s10 =	sld [smem:$0x3FBA];
	_ =	sdelay $0x3  }
0x37: {  	[smem:$0x3FBA] =	sst s10  }
0x38: {  	s10 =	sld [smem:$0x3FBB]  }
0x39: {  	_ = 	snop;
	(pc) =	sbr.ind lr, $3  }
0x3a: {  	_ = 	snop  }
0x3b: {  	_ = 	snop  }
0x3c: {  	p2 =	seq.s32 s10, $0x1;
	s10 =	sld [smem:$0x3FBA]  }
0x3d: {  	_ =	shalt  }
0x3e: {  	_ =	shalt  }
0x3f: {  	_ =	shalt  }
0x40: {  	_ =	shalt  }
0x41: {  	_ =	shalt  }
0x42: {  	_ =	shalt  }
0x43: {  	_ =	shalt  }
0x44: {  	_ =	shalt  }
0x45: {  	_ =	shalt  }
0x46: {  	_ =	shalt  }
0x47: {  	_ =	shalt  }
0x48: {  	_ =	shalt  }
0x49: {  	_ =	shalt  }
0x4a: {  	_ =	shalt  }
0x4b: {  	_ =	shalt  }
0x4c: {  	_ =	shalt  }
0x4d: {  	_ =	shalt  }
0x4e: {  	_ =	shalt  }
0x4f: {  	_ =	shalt  }
0x50: {  	_ =	shalt  }
0x51: {  	_ =	shalt  }
0x52: {  	_ =	shalt  }
0x53: {  	_ =	shalt  }
0x54: {  	_ =	shalt  }
0x55: {  	_ =	shalt  }
0x56: {  	_ =	shalt  }
0x57: {  	_ =	shalt  }
0x58: {  	_ =	shalt  }
0x59: {  	_ =	shalt  }
0x5a: {  	_ =	shalt  }
0x5b: {  	_ =	shalt  }
0x5c: {  	_ =	shalt  }
0x5d: {  	_ =	shalt  }
0x5e: {  	_ =	shalt  }
0x5f: {  	_ =	shalt  }
0x60: {  	_ =	shalt  }
0x61: {  	_ =	shalt  }
0x62: {  	_ =	shalt  }
0x63: {  	_ =	shalt  }
0x64: {  	_ =	shalt  }
0x65: {  	_ =	shalt  }
0x66: {  	_ =	shalt  }
0x67: {  	_ =	shalt  }
0x68: {  	_ =	shalt  }
0x69: {  	_ =	shalt  }
0x6a: {  	_ =	shalt  }
0x6b: {  	_ =	shalt  }
0x6c: {  	_ =	shalt  }
0x6d: {  	_ =	shalt  }
0x6e: {  	_ =	shalt  }
0x6f: {  	_ =	shalt  }
0x70: {  	_ =	shalt  }
0x71: {  	_ =	shalt  }
0x72: {  	_ =	shalt  }
0x73: {  	_ =	shalt  }
0x74: {  	_ =	shalt  }
0x75: {  	_ =	shalt  }
0x76: {  	_ =	shalt  }
0x77: {  	_ =	shalt  }
0x78: {  	_ =	shalt  }
0x79: {  	_ =	shalt  }
0x7a: {  	_ =	shalt  }
0x7b: {  	_ =	shalt  }
0x7c: {  	_ =	shalt  }
0x7d: {  	_ =	shalt  }
0x7e: {  	_ =	shalt  }
0x7f: {  	_ =	shalt  }
0x80: {  	_ =	shalt  }
0x81: {  	_ =	shalt  }
0x82: {  	_ =	shalt  }
0x83: {  	_ =	shalt  }
0x84: {  	_ =	shalt  }
0x85: {  	_ =	shalt  }
0x86: {  	_ =	shalt  }
0x87: {  	_ =	shalt  }
.Lfunc_end0:
.L_simem_size_0:
called_computation_lowered:
.L_overlay_start_0:
0x88: {  	s0 =	sld [smem:$0x3FD9]  }
0x89: {  	s1 =	sld [smem:$0x3FFE];
	_ =	sdelay $0x3  }
0x8a: {  	s0 =	sadd.s32 s1, s0  }
0x8b: {  	[smem:$0x3FC6] =	sst s0  }
0x8c: {  	_ = 	snop  }
0x8d: {  	s0 =	sld [smem:$0x3FC9]  }
0x8e: {  	s17 =	sld [smem:$0x3FC8]  }
0x8f: {  	s2 =	sld [smem:$0x3FD0];
	(tm) =	ssettm $0x1  }
0x90: {  	s3 =	sld [smem:$0x3FFB];
	_ =	sdelay $0x3  }
0x91: {  	_ =	strace s3  }
0x92: {  	s3 =	sld [smem:$0x3FFC];
	_ =	sdelay $0x3  }
0x93: {  	_ =	strace s3  }
0x94: {  	s3 =	sld [smem:$0x3FFD];
	_ =	sdelay $0x3  }
0x95: {  	_ =	strace s3  }
0x96: {  	_ =	strace $0x8FFFFFFF  }
0x97: {  	s18 =	sld [smem:$0x3FDB];
	_ =	sdelay $0x1  }
0x98: {  	s4 =	simm.s32 $_scs_section_size  }
0x99: {  	s5 =	simm.s32 $_size__tile_overlayer_lowered;
	s6 =	simm.s32 $_tile_overlayer_lowered  }
0x9a: {  	s21 =	simm.s32 $0x1BFF;
	s20 =	sshll.u32 s6, $0x1;
	s3 =	sadd.s32 s4, s18  }
0x9b: {  	s7 =	simm.s32 $0x0;
	s19 =	sshll.u32 s5, $0x1;
	s5 =	sadd.s32 s20, s3  }
0x9c: {  	[timem:s7], [sflag:s21] =	dma.local [hbm:s5], s19  }
0x9d: {  	_ =	swait.ge [sflag:s21], s19  }
0x9e: {  	s4 =	ssub.s32 $0x0, s19;
	[sflag:s21] =	ssyncset.done $0x0  }
0x9f: {  	[sflag:s21] =	ssyncadd.s32 s4;
	_ =	sdelay $0x1  }
0xa0: {  	s22 =	simm.s32 $0x1B8B  }
0xa1: {  	_ =	swait.ge [sflag:s22], $0x1  }
0xa2: {  	[sflag:s22] =	ssyncset.done $0x0  }
0xa3: {  	s23 =	simm.s32 $0x1B8E;
	[sflag:s22] =	ssyncadd.s32 $0xFFFFFFFF  }
0xa4: {  	s24 =	simm.s32 $execute0_lowered;
	[smem:$0x3FD2] =	sst s23  }
0xa5: {  	s4 =	sshll.u32 s24, $0x1;
	_ =	strace $0x80000046;
	[dreg:$0x1] =	wrdreg $0xFFFFFFFF  }
0xa6: {  	s25 =	simm.s32 $_size_execute0_lowered;
	s3 =	sadd.s32 s3, s4;
	[dreg:$0x0] =	wrdreg $0x0  }
0xa7: {  	s4 =	sshll.u32 s25, $0x1;
	[dreg:$0x2] =	wrdreg s3  }
0xa8: {  	[dreg:$0x3] =	wrdreg s4  }
0xa9: {  	[dreg:$0x4] =	wrdreg $0xC0  }
0xaa: {  	_ =	task [dreg:s7], $0x5FFFF  }
0xab: {  	[dreg:$0x1] =	wrdreg $0xFFFFFFFF  }
0xac: {  	[dreg:$0x0] =	wrdreg $0x60  }
0xad: {  	[dreg:$0x2] =	wrdreg s0  }
0xae: {  	[dreg:$0x3] =	wrdreg s17  }
0xaf: {  	[dreg:$0x4] =	wrdreg s2  }
0xb0: {  	[dreg:$0x5] =	wrdreg $0x9  }
0xb1: {  	_ =	task.clear_ibuf [dreg:s7], $0x6FFFF;
	_ =	strace $0x90000046  }
0xb2: {  	s26 =	simm.s32 $0x9;
	_ =	strace $0x80000048  }
0xb3: {  	_ =	swait.ge [sflag:s26], $0x1  }
0xb4: {  	[sflag:s26] =	ssyncadd.s32 $0xFFFFFFFF  }
0xb5: {  	_ =	strace $0x90000048  }
0xb6: {  	_ =	sfence  }
0xb7: {  	s28 =	sld [smem:$0x0];
	_ =	sdelay $0x1  }
0xb8: {  	s29 =	srdreg.scid  }
0xb9: {  	s30 =	sshll.u32 s29, $0xD;
	s31 =	sshrl.u32 s29, $0x2  }
0xba: {  	s1 =	sand.u32 $0x1, s29;
	s2 =	sand.u32 $0x4000, s30;
	s0 =	sadd.s32 s31, s28  }
0xbb: {  	s1 =	sor.u32 s2, s1;
	s0 =	sshll.u32 s0, $0x11  }
0xbc: {  	s0 =	sor.u32 s0, s1  }
0xbd: {  	s0 =	sadd.s32 $0x8F2B, s0  }
0xbe: {  	[sflag:s0] =	ssyncadd.remote.s32 $0x1  }
0xbf: {  	_ =	sfence.sel $0xFFFF  }
0xc0: {  	[dreg:$0x0] =	wrdreg $0xFFFFFFFF;
	(pc) =	sbr.abs _section_cstart, $3  }
0xc1: {  	[dreg:$0x1] =	wrdreg $0xFFFFFFFF  }
0xc2: {  	_ =	task.clear_ibuf [dreg:s7], $0x2FFFF;
	_ =	strace $0x9FFFFFFF  }
0xc3: {  	(tm) =	ssettm $0x7FFFFFFF  }
tec
execute0_lowered:
.L_overlay_start_1:
0x0: {  	(tag) =	ssettag $0x1  }
0x1: {  	s4 =	rddreg [dreg:$0x0]  }
0x2: {  	s3 =	rddreg [dreg:$0x1]  }
0x3: {  	s1 =	rddreg [dreg:$0x2];
	s2 =	stileid.u32  }
0x4: {  	s0 =	rddreg [dreg:$0x3];
	_ =	strace $0x80000047;
	p0 =	sne.s32 s2, $0x0  }
0x5: {  	_ =	sfence.sel @p0 $0x180000  }
0x6: {  	[bflag:$0x0] =	sbarrier.arrive @p0 $0xFFFF  }
0x7: {  	_ =	strace @p0 $0x90000047  }
0x8: {  	[bflag:$0x2] =	sbarrier.arrive @p0 $0xFFFF  }
0x9: {  	_ =	shalt @p0  }
.LBB2_1:
0xa: {  	s2 =	simm.s32 $0x0  }
0xb: {  	[tilespmem:s2], [sflag:$0x1] =	stream.linear.gather [hbm4b:s4+s2], $0x300, $0x38;
	[tilespmem:$0x1180] =	vst v63  }
0xc: {  	s25 =	simm.s32 $0x300  }
0xd: {  	v0 =	vimm.f32 $0.0e+00;
	[tilespmem:s25], [sflag:$0x1] =	stream.linear.gather [hbm4b:s3+s2], $0x180, $0x38;
	[tilespmem:$0x1180] =	vst v63  }
0xe: {  	[tilespmem:$0x580] =	vst v0  }
0xf: {  	[tilespmem:$0x590] =	vst v0  }
0x10: {  	[tilespmem:$0x600] =	vst v0  }
0x11: {  	[tilespmem:$0x610] =	vst v0  }
0x12: {  	[tilespmem:$0x680] =	vst v0  }
0x13: {  	[tilespmem:$0x690] =	vst v0  }
0x14: {  	[tilespmem:$0x700] =	vst v0  }
0x15: {  	[tilespmem:$0x710] =	vst v0  }
0x16: {  	[tilespmem:$0x780] =	vst v0  }
0x17: {  	[tilespmem:$0x790] =	vst v0  }
0x18: {  	[tilespmem:$0x800] =	vst v0  }
0x19: {  	[tilespmem:$0x810] =	vst v0  }
0x1a: {  	[tilespmem:$0x880] =	vst v0  }
0x1b: {  	[tilespmem:$0x890] =	vst v0  }
0x1c: {  	[tilespmem:$0x900] =	vst v0  }
0x1d: {  	[tilespmem:$0x910] =	vst v0  }
0x1e: {  	[tilespmem:$0x980] =	vst v0  }
0x1f: {  	[tilespmem:$0x990] =	vst v0  }
0x20: {  	[tilespmem:$0xA00] =	vst v0  }
0x21: {  	[tilespmem:$0xA10] =	vst v0  }
0x22: {  	[tilespmem:$0xA80] =	vst v0  }
0x23: {  	[tilespmem:$0xA90] =	vst v0  }
0x24: {  	[tilespmem:$0xB00] =	vst v0  }
0x25: {  	[tilespmem:$0xB10] =	vst v0  }
0x26: {  	[tilespmem:$0xB80] =	vst v0  }
0x27: {  	[tilespmem:$0xB90] =	vst v0  }
0x28: {  	[tilespmem:$0xC00] =	vst v0  }
0x29: {  	[tilespmem:$0xC10] =	vst v0  }
0x2a: {  	[tilespmem:$0xC80] =	vst v0  }
0x2b: {  	[tilespmem:$0xC90] =	vst v0  }
0x2c: {  	[tilespmem:$0xD00] =	vst v0  }
0x2d: {  	[tilespmem:$0xD10] =	vst v0  }
0x2e: {  	[tilespmem:$0xD80] =	vst v0  }
0x2f: {  	[tilespmem:$0xD90] =	vst v0  }
0x30: {  	[tilespmem:$0xE00] =	vst v0  }
0x31: {  	[tilespmem:$0xE10] =	vst v0  }
0x32: {  	[tilespmem:$0xE80] =	vst v0  }
0x33: {  	[tilespmem:$0xE90] =	vst v0  }
0x34: {  	[tilespmem:$0xF00] =	vst v0  }
0x35: {  	[tilespmem:$0xF10] =	vst v0  }
0x36: {  	[tilespmem:$0xF80] =	vst v0  }
0x37: {  	[tilespmem:$0xF90] =	vst v0  }
0x38: {  	[tilespmem:$0x1000] =	vst v0  }
0x39: {  	[tilespmem:$0x1010] =	vst v0  }
0x3a: {  	[tilespmem:$0x1080] =	vst v0  }
0x3b: {  	[tilespmem:$0x1090] =	vst v0  }
0x3c: {  	[tilespmem:$0x1100] =	vst v0  }
0x3d: {  	s26 =	simm.s32 $0x1;
	[tilespmem:$0x1110] =	vst v0  }
0x3e: {  	_ =	swait.ge [sflag:s26], $0x300  }
0x3f: {  	[sflag:s26] =	ssyncset.done $0x0  }
0x40: {  	[sflag:s26] =	ssyncadd.s32 $0xFFFFFD00  }
0x41: {  	_ =	swait.ge [sflag:s26], $0x180  }
0x42: {  	[sflag:s26] =	ssyncset.done $0x0  }
0x43: {  	[sflag:s26] =	ssyncadd.s32 $0xFFFFFE80  }
0x44: {  	v1 =	vld [tilespmem:$0x0];
	_ =	sdelay $0x2  }
0x45: {  	v2 =	vld [tilespmem:$0x300];
	_ =	sdelay $0x2  }
0x46: {  	[tilespmem:$0x480] =	vst v0  }
0x47: {  	s28 =	simm.s32 $0x480;
	[tilespmem:$0x490] =	vst v0  }
0x48: {  	[tilespmem:v1+s28+$0x0] =	vst.idx.add.f32.msk $0xffff, v2  }
0x49: {  	v48 =	vld [tilespmem:$0x10];
	_ =	sdelay $0x2  }
0x4a: {  	v1 =	vld [tilespmem:$0x310];
	_ =	sdelay $0x4  }
0x4b: {  	[tilespmem:v48+s28+$0x0] =	vst.idx.add.f32.msk $0xffff, v1  }
0x4c: {  	v0 =	vld [tilespmem:$0x20];
	_ =	sdelay $0x2  }
0x4d: {  	v1 =	vld [tilespmem:$0x320];
	_ =	sdelay $0x4  }
0x4e: {  	[tilespmem:v0+s28+$0x0] =	vst.idx.add.f32.msk $0xffff, v1  }
0x4f: {  	v0 =	vld [tilespmem:$0x30];
	_ =	sdelay $0x2  }
0x50: {  	v1 =	vld [tilespmem:$0x330];
	_ =	sdelay $0x4  }
0x51: {  	[tilespmem:v0+s28+$0x0] =	vst.idx.add.f32.msk $0xffff, v1  }
0x52: {  	v0 =	vld [tilespmem:$0x40];
	_ =	sdelay $0x2  }
0x53: {  	v1 =	vld [tilespmem:$0x340];
	_ =	sdelay $0x4  }
0x54: {  	[tilespmem:v0+s28+$0x0] =	vst.idx.add.f32.msk $0xffff, v1  }
0x55: {  	v0 =	vld [tilespmem:$0x50];
	_ =	sdelay $0x2  }
0x56: {  	v1 =	vld [tilespmem:$0x350];
	_ =	sdelay $0x4  }
0x57: {  	[tilespmem:v0+s28+$0x0] =	vst.idx.add.f32.msk $0xffff, v1  }
0x58: {  	v0 =	vld [tilespmem:$0x60];
	_ =	sdelay $0x2  }
0x59: {  	v1 =	vld [tilespmem:$0x360];
	_ =	sdelay $0x4  }
0x5a: {  	[tilespmem:v0+s28+$0x0] =	vst.idx.add.f32.msk $0xffff, v1  }
0x5b: {  	v0 =	vld [tilespmem:$0x70];
	_ =	sdelay $0x2  }
0x5c: {  	v1 =	vld [tilespmem:$0x370];
	_ =	sdelay $0x4  }
0x5d: {  	[tilespmem:v0+s28+$0x0] =	vst.idx.add.f32.msk $0xffff, v1  }
0x5e: {  	v0 =	vld [tilespmem:$0x100];
	_ =	sdelay $0x2  }
0x5f: {  	v1 =	vld [tilespmem:$0x380];
	_ =	sdelay $0x4  }
0x60: {  	[tilespmem:v0+s28+$0x0] =	vst.idx.add.f32.msk $0xffff, v1  }
0x61: {  	v0 =	vld [tilespmem:$0x110];
	_ =	sdelay $0x2  }
0x62: {  	v1 =	vld [tilespmem:$0x390];
	_ =	sdelay $0x4  }
0x63: {  	[tilespmem:v0+s28+$0x0] =	vst.idx.add.f32.msk $0xffff, v1  }
0x64: {  	v0 =	vld [tilespmem:$0x120];
	_ =	sdelay $0x2  }
0x65: {  	v1 =	vld [tilespmem:$0x3A0];
	_ =	sdelay $0x4  }
0x66: {  	[tilespmem:v0+s28+$0x0] =	vst.idx.add.f32.msk $0xffff, v1  }
0x67: {  	v0 =	vld [tilespmem:$0x130];
	_ =	sdelay $0x2  }
0x68: {  	v1 =	vld [tilespmem:$0x3B0];
	_ =	sdelay $0x4  }
0x69: {  	[tilespmem:v0+s28+$0x0] =	vst.idx.add.f32.msk $0xffff, v1  }
0x6a: {  	v0 =	vld [tilespmem:$0x140];
	_ =	sdelay $0x2  }
0x6b: {  	v1 =	vld [tilespmem:$0x3C0];
	_ =	sdelay $0x4  }
0x6c: {  	[tilespmem:v0+s28+$0x0] =	vst.idx.add.f32.msk $0xffff, v1  }
0x6d: {  	v0 =	vld [tilespmem:$0x150];
	_ =	sdelay $0x2  }
0x6e: {  	v1 =	vld [tilespmem:$0x3D0];
	_ =	sdelay $0x4  }
0x6f: {  	[tilespmem:v0+s28+$0x0] =	vst.idx.add.f32.msk $0xffff, v1  }
0x70: {  	v0 =	vld [tilespmem:$0x160];
	_ =	sdelay $0x2  }
0x71: {  	v1 =	vld [tilespmem:$0x3E0];
	_ =	sdelay $0x4  }
0x72: {  	[tilespmem:v0+s28+$0x0] =	vst.idx.add.f32.msk $0xffff, v1  }
0x73: {  	v0 =	vld [tilespmem:$0x170];
	_ =	sdelay $0x2  }
0x74: {  	v1 =	vld [tilespmem:$0x3F0];
	_ =	sdelay $0x4  }
0x75: {  	[tilespmem:v0+s28+$0x0] =	vst.idx.add.f32.msk $0xffff, v1  }
0x76: {  	v0 =	vld [tilespmem:$0x200];
	_ =	sdelay $0x2  }
0x77: {  	v1 =	vld [tilespmem:$0x400];
	_ =	sdelay $0x4  }
0x78: {  	[tilespmem:v0+s28+$0x0] =	vst.idx.add.f32.msk $0xffff, v1  }
0x79: {  	v0 =	vld [tilespmem:$0x210];
	_ =	sdelay $0x2  }
0x7a: {  	v1 =	vld [tilespmem:$0x410];
	_ =	sdelay $0x4  }
0x7b: {  	[tilespmem:v0+s28+$0x0] =	vst.idx.add.f32.msk $0xffff, v1  }
0x7c: {  	v0 =	vld [tilespmem:$0x220];
	_ =	sdelay $0x2  }
0x7d: {  	v1 =	vld [tilespmem:$0x420];
	_ =	sdelay $0x4  }
0x7e: {  	[tilespmem:v0+s28+$0x0] =	vst.idx.add.f32.msk $0xffff, v1  }
0x7f: {  	v0 =	vld [tilespmem:$0x230];
	_ =	sdelay $0x2  }
0x80: {  	v1 =	vld [tilespmem:$0x430];
	_ =	sdelay $0x4  }
0x81: {  	[tilespmem:v0+s28+$0x0] =	vst.idx.add.f32.msk $0xffff, v1  }
0x82: {  	v0 =	vld [tilespmem:$0x240];
	_ =	sdelay $0x2  }
0x83: {  	v1 =	vld [tilespmem:$0x440];
	_ =	sdelay $0x4  }
0x84: {  	[tilespmem:v0+s28+$0x0] =	vst.idx.add.f32.msk $0xffff, v1  }
0x85: {  	v0 =	vld [tilespmem:$0x250];
	_ =	sdelay $0x2  }
0x86: {  	v1 =	vld [tilespmem:$0x450];
	_ =	sdelay $0x4  }
0x87: {  	[tilespmem:v0+s28+$0x0] =	vst.idx.add.f32.msk $0xffff, v1  }
0x88: {  	v0 =	vld [tilespmem:$0x260];
	_ =	sdelay $0x2  }
0x89: {  	v1 =	vld [tilespmem:$0x460];
	_ =	sdelay $0x4  }
0x8a: {  	[tilespmem:v0+s28+$0x0] =	vst.idx.add.f32.msk $0xffff, v1  }
0x8b: {  	v0 =	vld [tilespmem:$0x270];
	_ =	sdelay $0x2  }
0x8c: {  	v1 =	vld [tilespmem:$0x470];
	_ =	sdelay $0x4  }
0x8d: {  	[tilespmem:v0+s28+$0x0] =	vst.idx.add.f32.msk $0xffff, v1  }
0x8e: {  	v0 =	vld [tilespmem:$0x480]  }
0x8f: {  	v1 =	vld [tilespmem:$0x490];
	_ =	sdelay $0x3  }
0x90: {  	v49 =	vshra.s32 v0, $0x1;
	v3 =	vmul.f32 $5.000000000e-01, v0  }
0x91: {  	v4 =	vshra.s32 v1, $0x1;
	v5 =	vmul.f32 $5.000000000e-01, v1;
	v2 =	vsub.s32 $0x5F3759DF, v49  }
0x92: {  	v4 =	vsub.s32 $0x5F3759DF, v4;
	v6 =	vmul.f32 v2, v3  }
0x93: {  	v7 =	vmul.f32 v4, v5  }
0x94: {  	v6 =	vmul.f32 v2, v6  }
0x95: {  	v7 =	vmul.f32 v4, v7  }
0x96: {  	v6 =	vsub.f32 $1.500000000e+00, v6  }
0x97: {  	v7 =	vsub.f32 $1.500000000e+00, v7  }
0x98: {  	v2 =	vmul.f32 v2, v6  }
0x99: {  	v4 =	vmul.f32 v4, v7  }
0x9a: {  	v6 =	vmul.f32 v2, v3  }
0x9b: {  	v7 =	vmul.f32 v4, v5  }
0x9c: {  	v6 =	vmul.f32 v6, v2  }
0x9d: {  	v7 =	vmul.f32 v7, v4  }
0x9e: {  	v6 =	vsub.f32 $1.500000000e+00, v6  }
0x9f: {  	v7 =	vsub.f32 $1.500000000e+00, v7  }
0xa0: {  	v2 =	vmul.f32 v6, v2  }
0xa1: {  	v4 =	vmul.f32 v7, v4  }
0xa2: {  	v3 =	vmul.f32 v2, v3  }
0xa3: {  	v5 =	vmul.f32 v4, v5  }
0xa4: {  	v3 =	vmul.f32 v3, v2  }
0xa5: {  	v50 =	vld [tilespmem:$0x0];
	v5 =	vmul.f32 v5, v4  }
0xa6: {  	v3 =	vsub.f32 $1.500000000e+00, v3  }
0xa7: {  	v51 =	vld [tilespmem:$0x80];
	v5 =	vsub.f32 $1.500000000e+00, v5  }
0xa8: {  	v2 =	vmul.f32 v3, v2  }
0xa9: {  	vm0 =	vgt.f32 v0, $0.0e+00;
	v52 =	vmul.f32 v5, v4  }
0xaa: {  	vm15 =	vgt.f32 v1, $0.0e+00;
	v0 =	vnsel vm0, $0x0, v2  }
0xab: {  	v53 =	vnsel vm15, $0x0, v52;
	[tilespmem:$0x500] =	vst v0  }
0xac: {  	s29 =	simm.s32 $0x500;
	v54 =	vld [tilespmem:$0x300];
	[tilespmem:$0x510] =	vst v53  }
0xad: {  	v55 =	vld.idx.msk [tilespmem:v50+s29+$0x0], $0xffff;
	_ =	sdelay $0x1  }
0xae: {  	v56 =	vld.idx.msk [tilespmem:v51+s29+$0x0], $0xffff;
	_ =	sdelay $0x1  }
0xaf: {  	v57 =	vand.u32 $0xFFFFFF80, v51;
	v58 =	vshll.u32 v50, $0x7  }
0xb0: {  	v59 =	vand.u32 $0x7F, v51;
	v60 =	vadd.s32 v58, v57;
	v0 =	vmul.f32 v55, v54  }
0xb1: {  	v1 =	vor.u32 v59, v60  }
0xb2: {  	v0 =	vmul.f32 v56, v0;
	_ =	sdelay $0x1  }
0xb3: {  	v0 =	vsub.f32 $0.0e+00, v0  }
0xb4: {  	s30 =	simm.s32 $0x580  }
0xb5: {  	[tilespmem:v1+s30+$0x0] =	vst.idx.add.f32.msk $0xffff, v0  }
0xb6: {  	v0 =	vld [tilespmem:$0x10];
	_ =	sdelay $0x1  }
0xb7: {  	v1 =	vld [tilespmem:$0x90];
	_ =	sdelay $0x4  }
0xb8: {  	v61 =	vld [tilespmem:$0x310]  }
0xb9: {  	v62 =	vld.idx.msk [tilespmem:v0+s29+$0x0], $0xffff;
	_ =	sdelay $0x1  }
0xba: {  	v63 =	vld.idx.msk [tilespmem:v1+s29+$0x0], $0xffff;
	_ =	sdelay $0x1  }
0xbb: {  	v8 =	vand.u32 $0xFFFFFF80, v1;
	v0 =	vshll.u32 v0, $0x7  }
0xbc: {  	v1 =	vand.u32 $0x7F, v1;
	v0 =	vadd.s32 v0, v8;
	v2 =	vmul.f32 v62, v61  }
0xbd: {  	v0 =	vor.u32 v1, v0  }
0xbe: {  	v9 =	vmul.f32 v63, v2;
	_ =	sdelay $0x1  }
0xbf: {  	v1 =	vsub.f32 $0.0e+00, v9;
	_ =	sdelay $0x1  }
0xc0: {  	[tilespmem:v0+s30+$0x0] =	vst.idx.add.f32.msk $0xffff, v1  }
0xc1: {  	v0 =	vld [tilespmem:$0x20];
	_ =	sdelay $0x1  }
0xc2: {  	v1 =	vld [tilespmem:$0xA0];
	_ =	sdelay $0x4  }
0xc3: {  	v10 =	vld [tilespmem:$0x320]  }
0xc4: {  	v11 =	vld.idx.msk [tilespmem:v0+s29+$0x0], $0xffff;
	_ =	sdelay $0x1  }
0xc5: {  	v12 =	vld.idx.msk [tilespmem:v1+s29+$0x0], $0xffff;
	_ =	sdelay $0x1  }
0xc6: {  	v13 =	vand.u32 $0xFFFFFF80, v1;
	v0 =	vshll.u32 v0, $0x7  }
0xc7: {  	v1 =	vand.u32 $0x7F, v1;
	v0 =	vadd.s32 v0, v13;
	v2 =	vmul.f32 v11, v10  }
0xc8: {  	v0 =	vor.u32 v1, v0  }
0xc9: {  	v14 =	vmul.f32 v12, v2;
	_ =	sdelay $0x1  }
0xca: {  	v1 =	vsub.f32 $0.0e+00, v14;
	_ =	sdelay $0x1  }
0xcb: {  	[tilespmem:v0+s30+$0x0] =	vst.idx.add.f32.msk $0xffff, v1  }
0xcc: {  	v0 =	vld [tilespmem:$0x30];
	_ =	sdelay $0x1  }
0xcd: {  	v1 =	vld [tilespmem:$0xB0];
	_ =	sdelay $0x4  }
0xce: {  	v15 =	vld [tilespmem:$0x330]  }
0xcf: {  	v16 =	vld.idx.msk [tilespmem:v0+s29+$0x0], $0xffff;
	_ =	sdelay $0x1  }
0xd0: {  	v17 =	vld.idx.msk [tilespmem:v1+s29+$0x0], $0xffff;
	_ =	sdelay $0x1  }
0xd1: {  	v18 =	vand.u32 $0xFFFFFF80, v1;
	v0 =	vshll.u32 v0, $0x7  }
0xd2: {  	v1 =	vand.u32 $0x7F, v1;
	v0 =	vadd.s32 v0, v18;
	v2 =	vmul.f32 v16, v15  }
0xd3: {  	v0 =	vor.u32 v1, v0  }
0xd4: {  	v19 =	vmul.f32 v17, v2;
	_ =	sdelay $0x1  }
0xd5: {  	v1 =	vsub.f32 $0.0e+00, v19;
	_ =	sdelay $0x1  }
0xd6: {  	[tilespmem:v0+s30+$0x0] =	vst.idx.add.f32.msk $0xffff, v1  }
0xd7: {  	v0 =	vld [tilespmem:$0x40];
	_ =	sdelay $0x1  }
0xd8: {  	v1 =	vld [tilespmem:$0xC0];
	_ =	sdelay $0x4  }
0xd9: {  	v20 =	vld [tilespmem:$0x340]  }
0xda: {  	v21 =	vld.idx.msk [tilespmem:v0+s29+$0x0], $0xffff;
	_ =	sdelay $0x1  }
0xdb: {  	v22 =	vld.idx.msk [tilespmem:v1+s29+$0x0], $0xffff;
	_ =	sdelay $0x1  }
0xdc: {  	v23 =	vand.u32 $0xFFFFFF80, v1;
	v0 =	vshll.u32 v0, $0x7  }
0xdd: {  	v1 =	vand.u32 $0x7F, v1;
	v0 =	vadd.s32 v0, v23;
	v2 =	vmul.f32 v21, v20  }
0xde: {  	v0 =	vor.u32 v1, v0  }
0xdf: {  	v24 =	vmul.f32 v22, v2;
	_ =	sdelay $0x1  }
0xe0: {  	v1 =	vsub.f32 $0.0e+00, v24;
	_ =	sdelay $0x1  }
0xe1: {  	[tilespmem:v0+s30+$0x0] =	vst.idx.add.f32.msk $0xffff, v1  }
0xe2: {  	v0 =	vld [tilespmem:$0x50];
	_ =	sdelay $0x1  }
0xe3: {  	v1 =	vld [tilespmem:$0xD0];
	_ =	sdelay $0x4  }
0xe4: {  	v25 =	vld [tilespmem:$0x350]  }
0xe5: {  	v26 =	vld.idx.msk [tilespmem:v0+s29+$0x0], $0xffff;
	_ =	sdelay $0x1  }
0xe6: {  	v27 =	vld.idx.msk [tilespmem:v1+s29+$0x0], $0xffff;
	_ =	sdelay $0x1  }
0xe7: {  	v28 =	vand.u32 $0xFFFFFF80, v1;
	v0 =	vshll.u32 v0, $0x7  }
0xe8: {  	v1 =	vand.u32 $0x7F, v1;
	v0 =	vadd.s32 v0, v28;
	v2 =	vmul.f32 v26, v25  }
0xe9: {  	v0 =	vor.u32 v1, v0  }
0xea: {  	v29 =	vmul.f32 v27, v2;
	_ =	sdelay $0x1  }
0xeb: {  	v1 =	vsub.f32 $0.0e+00, v29;
	_ =	sdelay $0x1  }
0xec: {  	[tilespmem:v0+s30+$0x0] =	vst.idx.add.f32.msk $0xffff, v1  }
0xed: {  	v0 =	vld [tilespmem:$0x60];
	_ =	sdelay $0x1  }
0xee: {  	v1 =	vld [tilespmem:$0xE0];
	_ =	sdelay $0x4  }
0xef: {  	v30 =	vld [tilespmem:$0x360]  }
0xf0: {  	v31 =	vld.idx.msk [tilespmem:v0+s29+$0x0], $0xffff;
	_ =	sdelay $0x1  }
0xf1: {  	v32 =	vld.idx.msk [tilespmem:v1+s29+$0x0], $0xffff;
	_ =	sdelay $0x1  }
0xf2: {  	v33 =	vand.u32 $0xFFFFFF80, v1;
	v0 =	vshll.u32 v0, $0x7  }
0xf3: {  	v1 =	vand.u32 $0x7F, v1;
	v0 =	vadd.s32 v0, v33;
	v2 =	vmul.f32 v31, v30  }
0xf4: {  	v0 =	vor.u32 v1, v0  }
0xf5: {  	v34 =	vmul.f32 v32, v2;
	_ =	sdelay $0x1  }
0xf6: {  	v1 =	vsub.f32 $0.0e+00, v34;
	_ =	sdelay $0x1  }
0xf7: {  	[tilespmem:v0+s30+$0x0] =	vst.idx.add.f32.msk $0xffff, v1  }
0xf8: {  	v0 =	vld [tilespmem:$0x70];
	_ =	sdelay $0x1  }
0xf9: {  	v1 =	vld [tilespmem:$0xF0];
	_ =	sdelay $0x4  }
0xfa: {  	v35 =	vld [tilespmem:$0x370]  }
0xfb: {  	v36 =	vld.idx.msk [tilespmem:v0+s29+$0x0], $0xffff;
	_ =	sdelay $0x1  }
0xfc: {  	v37 =	vld.idx.msk [tilespmem:v1+s29+$0x0], $0xffff;
	_ =	sdelay $0x1  }
0xfd: {  	v38 =	vand.u32 $0xFFFFFF80, v1;
	v0 =	vshll.u32 v0, $0x7  }
0xfe: {  	v1 =	vand.u32 $0x7F, v1;
	v0 =	vadd.s32 v0, v38;
	v2 =	vmul.f32 v36, v35  }
0xff: {  	v0 =	vor.u32 v1, v0  }
0x100: {  	v39 =	vmul.f32 v37, v2;
	_ =	sdelay $0x1  }
0x101: {  	v1 =	vsub.f32 $0.0e+00, v39;
	_ =	sdelay $0x1  }
0x102: {  	[tilespmem:v0+s30+$0x0] =	vst.idx.add.f32.msk $0xffff, v1  }
0x103: {  	v0 =	vld [tilespmem:$0x100];
	_ =	sdelay $0x1  }
0x104: {  	v1 =	vld [tilespmem:$0x180];
	_ =	sdelay $0x4  }
0x105: {  	v40 =	vld [tilespmem:$0x380]  }
0x106: {  	v41 =	vld.idx.msk [tilespmem:v0+s29+$0x0], $0xffff;
	_ =	sdelay $0x1  }
0x107: {  	v42 =	vld.idx.msk [tilespmem:v1+s29+$0x0], $0xffff;
	_ =	sdelay $0x1  }
0x108: {  	v43 =	vand.u32 $0xFFFFFF80, v1;
	v0 =	vshll.u32 v0, $0x7  }
0x109: {  	v1 =	vand.u32 $0x7F, v1;
	v0 =	vadd.s32 v0, v43;
	v2 =	vmul.f32 v41, v40  }
0x10a: {  	v0 =	vor.u32 v1, v0  }
0x10b: {  	v44 =	vmul.f32 v42, v2;
	_ =	sdelay $0x1  }
0x10c: {  	v1 =	vsub.f32 $0.0e+00, v44;
	_ =	sdelay $0x1  }
0x10d: {  	[tilespmem:v0+s30+$0x0] =	vst.idx.add.f32.msk $0xffff, v1  }
0x10e: {  	v0 =	vld [tilespmem:$0x110];
	_ =	sdelay $0x1  }
0x10f: {  	v1 =	vld [tilespmem:$0x190];
	_ =	sdelay $0x4  }
0x110: {  	v45 =	vld [tilespmem:$0x390]  }
0x111: {  	v46 =	vld.idx.msk [tilespmem:v0+s29+$0x0], $0xffff;
	_ =	sdelay $0x1  }
0x112: {  	v47 =	vld.idx.msk [tilespmem:v1+s29+$0x0], $0xffff;
	_ =	sdelay $0x1  }
0x113: {  	v48 =	vand.u32 $0xFFFFFF80, v1;
	v0 =	vshll.u32 v0, $0x7  }
0x114: {  	v1 =	vand.u32 $0x7F, v1;
	v0 =	vadd.s32 v0, v48;
	v2 =	vmul.f32 v46, v45  }
0x115: {  	v0 =	vor.u32 v1, v0  }
0x116: {  	v49 =	vmul.f32 v47, v2;
	_ =	sdelay $0x1  }
0x117: {  	v1 =	vsub.f32 $0.0e+00, v49;
	_ =	sdelay $0x1  }
0x118: {  	[tilespmem:v0+s30+$0x0] =	vst.idx.add.f32.msk $0xffff, v1  }
0x119: {  	v0 =	vld [tilespmem:$0x120];
	_ =	sdelay $0x1  }
0x11a: {  	v1 =	vld [tilespmem:$0x1A0];
	_ =	sdelay $0x4  }
0x11b: {  	v50 =	vld [tilespmem:$0x3A0]  }
0x11c: {  	v51 =	vld.idx.msk [tilespmem:v0+s29+$0x0], $0xffff;
	_ =	sdelay $0x1  }
0x11d: {  	v52 =	vld.idx.msk [tilespmem:v1+s29+$0x0], $0xffff;
	_ =	sdelay $0x1  }
0x11e: {  	v53 =	vand.u32 $0xFFFFFF80, v1;
	v0 =	vshll.u32 v0, $0x7  }
0x11f: {  	v1 =	vand.u32 $0x7F, v1;
	v0 =	vadd.s32 v0, v53;
	v2 =	vmul.f32 v51, v50  }
0x120: {  	v0 =	vor.u32 v1, v0  }
0x121: {  	v54 =	vmul.f32 v52, v2;
	_ =	sdelay $0x1  }
0x122: {  	v1 =	vsub.f32 $0.0e+00, v54;
	_ =	sdelay $0x1  }
0x123: {  	[tilespmem:v0+s30+$0x0] =	vst.idx.add.f32.msk $0xffff, v1  }
0x124: {  	v0 =	vld [tilespmem:$0x130];
	_ =	sdelay $0x1  }
0x125: {  	v1 =	vld [tilespmem:$0x1B0];
	_ =	sdelay $0x4  }
0x126: {  	v55 =	vld [tilespmem:$0x3B0]  }
0x127: {  	v56 =	vld.idx.msk [tilespmem:v0+s29+$0x0], $0xffff;
	_ =	sdelay $0x1  }
0x128: {  	v57 =	vld.idx.msk [tilespmem:v1+s29+$0x0], $0xffff;
	_ =	sdelay $0x1  }
0x129: {  	v58 =	vand.u32 $0xFFFFFF80, v1;
	v0 =	vshll.u32 v0, $0x7  }
0x12a: {  	v1 =	vand.u32 $0x7F, v1;
	v0 =	vadd.s32 v0, v58;
	v2 =	vmul.f32 v56, v55  }
0x12b: {  	v0 =	vor.u32 v1, v0  }
0x12c: {  	v59 =	vmul.f32 v57, v2;
	_ =	sdelay $0x1  }
0x12d: {  	v1 =	vsub.f32 $0.0e+00, v59;
	_ =	sdelay $0x1  }
0x12e: {  	[tilespmem:v0+s30+$0x0] =	vst.idx.add.f32.msk $0xffff, v1  }
0x12f: {  	v0 =	vld [tilespmem:$0x140];
	_ =	sdelay $0x1  }
0x130: {  	v1 =	vld [tilespmem:$0x1C0];
	_ =	sdelay $0x4  }
0x131: {  	v60 =	vld [tilespmem:$0x3C0]  }
0x132: {  	v61 =	vld.idx.msk [tilespmem:v0+s29+$0x0], $0xffff;
	_ =	sdelay $0x1  }
0x133: {  	v62 =	vld.idx.msk [tilespmem:v1+s29+$0x0], $0xffff;
	_ =	sdelay $0x1  }
0x134: {  	v63 =	vand.u32 $0xFFFFFF80, v1;
	v0 =	vshll.u32 v0, $0x7  }
0x135: {  	v1 =	vand.u32 $0x7F, v1;
	v0 =	vadd.s32 v0, v63;
	v2 =	vmul.f32 v61, v60  }
0x136: {  	v0 =	vor.u32 v1, v0  }
0x137: {  	v8 =	vmul.f32 v62, v2;
	_ =	sdelay $0x1  }
0x138: {  	v1 =	vsub.f32 $0.0e+00, v8;
	_ =	sdelay $0x1  }
0x139: {  	[tilespmem:v0+s30+$0x0] =	vst.idx.add.f32.msk $0xffff, v1  }
0x13a: {  	v0 =	vld [tilespmem:$0x150];
	_ =	sdelay $0x1  }
0x13b: {  	v1 =	vld [tilespmem:$0x1D0];
	_ =	sdelay $0x4  }
0x13c: {  	v9 =	vld [tilespmem:$0x3D0]  }
0x13d: {  	v10 =	vld.idx.msk [tilespmem:v0+s29+$0x0], $0xffff;
	_ =	sdelay $0x1  }
0x13e: {  	v11 =	vld.idx.msk [tilespmem:v1+s29+$0x0], $0xffff;
	_ =	sdelay $0x1  }
0x13f: {  	v12 =	vand.u32 $0xFFFFFF80, v1;
	v0 =	vshll.u32 v0, $0x7  }
0x140: {  	v1 =	vand.u32 $0x7F, v1;
	v0 =	vadd.s32 v0, v12;
	v2 =	vmul.f32 v10, v9  }
0x141: {  	v0 =	vor.u32 v1, v0  }
0x142: {  	v13 =	vmul.f32 v11, v2;
	_ =	sdelay $0x1  }
0x143: {  	v1 =	vsub.f32 $0.0e+00, v13;
	_ =	sdelay $0x1  }
0x144: {  	[tilespmem:v0+s30+$0x0] =	vst.idx.add.f32.msk $0xffff, v1  }
0x145: {  	v0 =	vld [tilespmem:$0x160];
	_ =	sdelay $0x1  }
0x146: {  	v1 =	vld [tilespmem:$0x1E0];
	_ =	sdelay $0x4  }
0x147: {  	v14 =	vld [tilespmem:$0x3E0]  }
0x148: {  	v15 =	vld.idx.msk [tilespmem:v0+s29+$0x0], $0xffff;
	_ =	sdelay $0x1  }
0x149: {  	v16 =	vld.idx.msk [tilespmem:v1+s29+$0x0], $0xffff;
	_ =	sdelay $0x1  }
0x14a: {  	v17 =	vand.u32 $0xFFFFFF80, v1;
	v0 =	vshll.u32 v0, $0x7  }
0x14b: {  	v1 =	vand.u32 $0x7F, v1;
	v0 =	vadd.s32 v0, v17;
	v2 =	vmul.f32 v15, v14  }
0x14c: {  	v0 =	vor.u32 v1, v0  }
0x14d: {  	v18 =	vmul.f32 v16, v2;
	_ =	sdelay $0x1  }
0x14e: {  	v1 =	vsub.f32 $0.0e+00, v18;
	_ =	sdelay $0x1  }
0x14f: {  	[tilespmem:v0+s30+$0x0] =	vst.idx.add.f32.msk $0xffff, v1  }
0x150: {  	v0 =	vld [tilespmem:$0x170];
	_ =	sdelay $0x1  }
0x151: {  	v1 =	vld [tilespmem:$0x1F0];
	_ =	sdelay $0x4  }
0x152: {  	v19 =	vld [tilespmem:$0x3F0]  }
0x153: {  	v20 =	vld.idx.msk [tilespmem:v0+s29+$0x0], $0xffff;
	_ =	sdelay $0x1  }
0x154: {  	v21 =	vld.idx.msk [tilespmem:v1+s29+$0x0], $0xffff;
	_ =	sdelay $0x1  }
0x155: {  	v22 =	vand.u32 $0xFFFFFF80, v1;
	v0 =	vshll.u32 v0, $0x7  }
0x156: {  	v1 =	vand.u32 $0x7F, v1;
	v0 =	vadd.s32 v0, v22;
	v2 =	vmul.f32 v20, v19  }
0x157: {  	v0 =	vor.u32 v1, v0  }
0x158: {  	v23 =	vmul.f32 v21, v2;
	_ =	sdelay $0x1  }
0x159: {  	v1 =	vsub.f32 $0.0e+00, v23;
	_ =	sdelay $0x1  }
0x15a: {  	[tilespmem:v0+s30+$0x0] =	vst.idx.add.f32.msk $0xffff, v1  }
0x15b: {  	v0 =	vld [tilespmem:$0x200];
	_ =	sdelay $0x1  }
0x15c: {  	v1 =	vld [tilespmem:$0x280];
	_ =	sdelay $0x4  }
0x15d: {  	v24 =	vld [tilespmem:$0x400]  }
0x15e: {  	v25 =	vld.idx.msk [tilespmem:v0+s29+$0x0], $0xffff;
	_ =	sdelay $0x1  }
0x15f: {  	v26 =	vld.idx.msk [tilespmem:v1+s29+$0x0], $0xffff;
	_ =	sdelay $0x1  }
0x160: {  	v27 =	vand.u32 $0xFFFFFF80, v1;
	v0 =	vshll.u32 v0, $0x7  }
0x161: {  	v1 =	vand.u32 $0x7F, v1;
	v0 =	vadd.s32 v0, v27;
	v2 =	vmul.f32 v25, v24  }
0x162: {  	v0 =	vor.u32 v1, v0  }
0x163: {  	v28 =	vmul.f32 v26, v2;
	_ =	sdelay $0x1  }
0x164: {  	v1 =	vsub.f32 $0.0e+00, v28;
	_ =	sdelay $0x1  }
0x165: {  	[tilespmem:v0+s30+$0x0] =	vst.idx.add.f32.msk $0xffff, v1  }
0x166: {  	v0 =	vld [tilespmem:$0x210];
	_ =	sdelay $0x1  }
0x167: {  	v1 =	vld [tilespmem:$0x290];
	_ =	sdelay $0x4  }
0x168: {  	v29 =	vld [tilespmem:$0x410]  }
0x169: {  	v30 =	vld.idx.msk [tilespmem:v0+s29+$0x0], $0xffff;
	_ =	sdelay $0x1  }
0x16a: {  	v31 =	vld.idx.msk [tilespmem:v1+s29+$0x0], $0xffff;
	_ =	sdelay $0x1  }
0x16b: {  	v32 =	vand.u32 $0xFFFFFF80, v1;
	v0 =	vshll.u32 v0, $0x7  }
0x16c: {  	v1 =	vand.u32 $0x7F, v1;
	v0 =	vadd.s32 v0, v32;
	v2 =	vmul.f32 v30, v29  }
0x16d: {  	v0 =	vor.u32 v1, v0  }
0x16e: {  	v33 =	vmul.f32 v31, v2;
	_ =	sdelay $0x1  }
0x16f: {  	v1 =	vsub.f32 $0.0e+00, v33;
	_ =	sdelay $0x1  }
0x170: {  	[tilespmem:v0+s30+$0x0] =	vst.idx.add.f32.msk $0xffff, v1  }
0x171: {  	v0 =	vld [tilespmem:$0x220];
	_ =	sdelay $0x1  }
0x172: {  	v1 =	vld [tilespmem:$0x2A0];
	_ =	sdelay $0x4  }
0x173: {  	v34 =	vld [tilespmem:$0x420]  }
0x174: {  	v35 =	vld.idx.msk [tilespmem:v0+s29+$0x0], $0xffff;
	_ =	sdelay $0x1  }
0x175: {  	v36 =	vld.idx.msk [tilespmem:v1+s29+$0x0], $0xffff;
	_ =	sdelay $0x1  }
0x176: {  	v37 =	vand.u32 $0xFFFFFF80, v1;
	v0 =	vshll.u32 v0, $0x7  }
0x177: {  	v1 =	vand.u32 $0x7F, v1;
	v0 =	vadd.s32 v0, v37;
	v2 =	vmul.f32 v35, v34  }
0x178: {  	v0 =	vor.u32 v1, v0  }
0x179: {  	v38 =	vmul.f32 v36, v2;
	_ =	sdelay $0x1  }
0x17a: {  	v1 =	vsub.f32 $0.0e+00, v38;
	_ =	sdelay $0x1  }
0x17b: {  	[tilespmem:v0+s30+$0x0] =	vst.idx.add.f32.msk $0xffff, v1  }
0x17c: {  	v0 =	vld [tilespmem:$0x230];
	_ =	sdelay $0x1  }
0x17d: {  	v1 =	vld [tilespmem:$0x2B0];
	_ =	sdelay $0x4  }
0x17e: {  	v39 =	vld [tilespmem:$0x430]  }
0x17f: {  	v40 =	vld.idx.msk [tilespmem:v0+s29+$0x0], $0xffff;
	_ =	sdelay $0x1  }
0x180: {  	v41 =	vld.idx.msk [tilespmem:v1+s29+$0x0], $0xffff;
	_ =	sdelay $0x1  }
0x181: {  	v42 =	vand.u32 $0xFFFFFF80, v1;
	v0 =	vshll.u32 v0, $0x7  }
0x182: {  	v1 =	vand.u32 $0x7F, v1;
	v0 =	vadd.s32 v0, v42;
	v2 =	vmul.f32 v40, v39  }
0x183: {  	v0 =	vor.u32 v1, v0  }
0x184: {  	v43 =	vmul.f32 v41, v2;
	_ =	sdelay $0x1  }
0x185: {  	v1 =	vsub.f32 $0.0e+00, v43;
	_ =	sdelay $0x1  }
0x186: {  	[tilespmem:v0+s30+$0x0] =	vst.idx.add.f32.msk $0xffff, v1  }
0x187: {  	v0 =	vld [tilespmem:$0x240];
	_ =	sdelay $0x1  }
0x188: {  	v1 =	vld [tilespmem:$0x2C0];
	_ =	sdelay $0x4  }
0x189: {  	v44 =	vld [tilespmem:$0x440]  }
0x18a: {  	v45 =	vld.idx.msk [tilespmem:v0+s29+$0x0], $0xffff;
	_ =	sdelay $0x1  }
0x18b: {  	v46 =	vld.idx.msk [tilespmem:v1+s29+$0x0], $0xffff;
	_ =	sdelay $0x1  }
0x18c: {  	v47 =	vand.u32 $0xFFFFFF80, v1;
	v0 =	vshll.u32 v0, $0x7  }
0x18d: {  	v1 =	vand.u32 $0x7F, v1;
	v0 =	vadd.s32 v0, v47;
	v2 =	vmul.f32 v45, v44  }
0x18e: {  	v0 =	vor.u32 v1, v0  }
0x18f: {  	v48 =	vmul.f32 v46, v2;
	_ =	sdelay $0x1  }
0x190: {  	v1 =	vsub.f32 $0.0e+00, v48;
	_ =	sdelay $0x1  }
0x191: {  	[tilespmem:v0+s30+$0x0] =	vst.idx.add.f32.msk $0xffff, v1  }
0x192: {  	v0 =	vld [tilespmem:$0x250];
	_ =	sdelay $0x1  }
0x193: {  	v1 =	vld [tilespmem:$0x2D0];
	_ =	sdelay $0x4  }
0x194: {  	v49 =	vld [tilespmem:$0x450]  }
0x195: {  	v50 =	vld.idx.msk [tilespmem:v0+s29+$0x0], $0xffff;
	_ =	sdelay $0x1  }
0x196: {  	v51 =	vld.idx.msk [tilespmem:v1+s29+$0x0], $0xffff;
	_ =	sdelay $0x1  }
0x197: {  	v52 =	vand.u32 $0xFFFFFF80, v1;
	v0 =	vshll.u32 v0, $0x7  }
0x198: {  	v1 =	vand.u32 $0x7F, v1;
	v0 =	vadd.s32 v0, v52;
	v2 =	vmul.f32 v50, v49  }
0x199: {  	v0 =	vor.u32 v1, v0  }
0x19a: {  	v53 =	vmul.f32 v51, v2;
	_ =	sdelay $0x1  }
0x19b: {  	v1 =	vsub.f32 $0.0e+00, v53;
	_ =	sdelay $0x1  }
0x19c: {  	[tilespmem:v0+s30+$0x0] =	vst.idx.add.f32.msk $0xffff, v1  }
0x19d: {  	v0 =	vld [tilespmem:$0x260];
	_ =	sdelay $0x1  }
0x19e: {  	v1 =	vld [tilespmem:$0x2E0];
	_ =	sdelay $0x4  }
0x19f: {  	v54 =	vld [tilespmem:$0x460]  }
0x1a0: {  	v55 =	vld.idx.msk [tilespmem:v0+s29+$0x0], $0xffff;
	_ =	sdelay $0x1  }
0x1a1: {  	v56 =	vld.idx.msk [tilespmem:v1+s29+$0x0], $0xffff;
	_ =	sdelay $0x1  }
0x1a2: {  	v57 =	vand.u32 $0xFFFFFF80, v1;
	v0 =	vshll.u32 v0, $0x7  }
0x1a3: {  	v1 =	vand.u32 $0x7F, v1;
	v0 =	vadd.s32 v0, v57;
	v2 =	vmul.f32 v55, v54  }
0x1a4: {  	v0 =	vor.u32 v1, v0  }
0x1a5: {  	v58 =	vmul.f32 v56, v2;
	_ =	sdelay $0x1  }
0x1a6: {  	v1 =	vsub.f32 $0.0e+00, v58;
	_ =	sdelay $0x1  }
0x1a7: {  	[tilespmem:v0+s30+$0x0] =	vst.idx.add.f32.msk $0xffff, v1  }
0x1a8: {  	v0 =	vld [tilespmem:$0x270];
	_ =	sdelay $0x1  }
0x1a9: {  	v1 =	vld [tilespmem:$0x2F0];
	_ =	sdelay $0x4  }
0x1aa: {  	v59 =	vld [tilespmem:$0x470]  }
0x1ab: {  	v60 =	vld.idx.msk [tilespmem:v0+s29+$0x0], $0xffff;
	_ =	sdelay $0x1  }
0x1ac: {  	v61 =	vld.idx.msk [tilespmem:v1+s29+$0x0], $0xffff;
	_ =	sdelay $0x1  }
0x1ad: {  	v62 =	vand.u32 $0xFFFFFF80, v1;
	v0 =	vshll.u32 v0, $0x7  }
0x1ae: {  	v1 =	vand.u32 $0x7F, v1;
	v0 =	vadd.s32 v0, v62;
	v2 =	vmul.f32 v60, v59  }
0x1af: {  	v0 =	vor.u32 v1, v0  }
0x1b0: {  	v63 =	vmul.f32 v61, v2;
	_ =	sdelay $0x1  }
0x1b1: {  	v1 =	vsub.f32 $0.0e+00, v63;
	_ =	sdelay $0x1  }
0x1b2: {  	s31 =	simm.s32 $0x2;
	[tilespmem:v0+s30+$0x0] =	vst.idx.add.f32.msk $0xffff, v1  }
0x1b3: {  	[hbm4b:s1+s2] =	stream.linear.scatter [tilespmem:s30], [sflag:$0x2], $0xC00, $0x38;
	[tilespmem:$0x1180] =	vst v63  }
0x1b4: {  	_ =	swait.ge [sflag:s31], $0xC00  }
0x1b5: {  	[sflag:s31] =	ssyncset.done $0x0  }
0x1b6: {  	[sflag:s31] =	ssyncadd.s32 $0xFFFFF400  }
0x1b7: {  	_ =	sfence.sel $0x180000  }
0x1b8: {  	[bflag:$0x0] =	sbarrier.arrive $0xFFFF  }
0x1b9: {  	_ =	strace $0x90000047  }
0x1ba: {  	s0 =	sadd.s32 $0x100000, s0;
	[bflag:$0x2] =	sbarrier.arrive $0xFFFF  }
0x1bb: {  	[sflag:s0] =	ssyncadd.tile.s32 $0x1;
	_ =	shalt  }
.Lfunc_end2:
_tile_overlayer_lowered:
.L_overlay_start_2:
0x1bc: {  	(tag) =	ssettag $0x2  }
0x1bd: {  	s0 =	rddreg [dreg:$0x0];
	s2 =	stileid.u32  }
0x1be: {  	s1 =	rddreg [dreg:$0x1];
	p0 =	sne.s32 s2, $0x0  }
0x1bf: {  	s3 =	rddreg [dreg:$0x2];
	[bflag:$0x3] =	sbarrier.arrive $0xFFFF;
	s2 =	simm.s32 @!p0 $0x1C02  }
0x1c0: {  	[timem:s3], [sflag:s2] =	dma.local @!p0 [hbm:s0], s1  }
0x1c1: {  	s0 =	simm.s32 @!p0 $0x2  }
0x1c2: {  	_ =	swait.ge @!p0 [sflag:s0], s1  }
0x1c3: {  	s1 =	ssub.s32 @!p0 $0x0, s1;
	[sflag:s0] =	ssyncset.done @!p0 $0x0  }
0x1c4: {  	[sflag:s0] =	ssyncadd.s32 @!p0 s1  }
0x1c5: {  	[bflag:$0x3] =	sbarrier.arrive $0xFFFF  }
0x1c6: {  	_ =	shalt  }

</sc_bundles>
